<compile_context>
chip_gen: v7x
topology: tpu7x:2x2x1
jax: 0.10.2.dev20260603
libtpu: 0.0.44.dev20260713+nightly
codegen_flags: <defaults>
</compile_context>

<pallas_src>
import functools

import numpy as np
import jax
import jax.numpy as jnp
from jax import lax
from jax.experimental import pallas as pl
from jax.experimental.pallas import tpu as pltpu
from jax.experimental.pallas import tpu_sc as plsc

_B, _IN_CH, _T = 32, 4, 16384
_OUT_CH, _K = 32, 1023
_NE, _ED = 1024, 1023
_EDP = 1024
_COMMIT = 0.25
_NROWS = _B * _OUT_CH * _IN_CH
_BM = 512
_HALF = _K // 2

_PERM = np.empty(_NROWS, np.int32)
for _b in range(_B):
    for _oc in range(_OUT_CH):
        for _ic in range(_IN_CH):
            _rf = (_b * _OUT_CH + _oc) * _IN_CH + _ic
            _rn = ((((_b + _B // 2) % _B) * _IN_CH + (_ic + _IN_CH // 2) % _IN_CH)
                   * _OUT_CH + (_oc + _OUT_CH // 2) % _OUT_CH)
            _PERM[_rf] = _rn
_PERM.setflags(write=False)


def _extract(X):
    t = X.shape[-1]
    padded = int(np.ceil(t / _K) * _K)
    end = padded - _K - 1 - _K
    positions = jnp.linspace(0.0, float(end), _OUT_CH).astype(jnp.int32)
    idx = positions[:, None] + jnp.arange(_K, dtype=jnp.int32)[None, :]
    return X[:, :, idx]


def _acov_preshift(f):
    eps = jnp.finfo(f.dtype).eps
    n = f.shape[-1]
    fmax = jnp.max(jnp.abs(f), axis=-1, keepdims=True)
    fmax = jnp.where(fmax == 0, eps, fmax)
    win = 0.5 * (1.0 - jnp.cos(2.0 * jnp.pi * jnp.arange(n, dtype=f.dtype) / n))
    wd = f * win / fmax
    spec = jnp.fft.rfft(wd, n=n) ** 2
    return jnp.fft.irfft(jnp.abs(spec), n=n).astype(f.dtype)


def _vq_kernel(f_ref, w_ref, idx_ref, loss_ref, perp_ref, cnt_ref, dsum_ref):
    i = pl.program_id(0)
    f_raw = f_ref[...]
    f = jnp.concatenate([f_raw[:, _HALF:], f_raw[:, :_HALF]], axis=1)
    w = w_ref[...]
    a = jnp.sum(f * f, axis=1, keepdims=True)
    b = jnp.sum(w * w, axis=1)
    mm = jax.lax.dot_general(f, w, (((1,), (1,)), ((), ())),
                             preferred_element_type=jnp.float32)
    d = (a + b[None, :]) - 2.0 * mm
    m = jnp.min(d, axis=1, keepdims=True)
    jcol = jax.lax.broadcasted_iota(jnp.int32, d.shape, 1)
    idx = jnp.min(jnp.where(d == m, jcol, jnp.int32(2 ** 30)), axis=1)
    idx_ref[...] = idx[:, None]

    oh = jnp.where(jcol == idx[:, None], 1.0, 0.0).astype(jnp.float32)
    blk_cnt = jnp.sum(oh, axis=0, keepdims=True)
    blk_dsum = jnp.reshape(jnp.sum(m), (1, 1))

    @pl.when(i == 0)
    def _():
        cnt_ref[...] = blk_cnt
        dsum_ref[...] = blk_dsum

    @pl.when(i > 0)
    def _():
        cnt_ref[...] = cnt_ref[...] + blk_cnt
        dsum_ref[...] = dsum_ref[...] + blk_dsum

    @pl.when(i == (_NROWS // _BM) - 1)
    def _():
        mean_d = dsum_ref[...] / jnp.float32(_NROWS * _ED)
        loss_ref[...] = mean_d + _COMMIT * mean_d
        p = cnt_ref[...] / jnp.float32(_NROWS)
        feps = jnp.finfo(jnp.float32).eps
        ent = -jnp.sum(p * jnp.log(p + feps))
        perp_ref[...] = jnp.reshape(jnp.exp(ent), (1, 1))


_NC, _NS = 2, 16
_NW = _NC * _NS
_BPW = _NROWS // _NW
_CHUNK = 64


def _sc_gather(Wpad, idx):
    mesh = plsc.VectorSubcoreMesh(core_axis_name="c", subcore_axis_name="s")

    @functools.partial(
        pl.kernel, mesh=mesh,
        out_type=jax.ShapeDtypeStruct((_NROWS, _EDP), jnp.float32),
        scratch_types=[pltpu.VMEM((_CHUNK,), jnp.int32),
                       pltpu.VMEM((_CHUNK, _EDP), jnp.float32),
                       pltpu.SemaphoreType.DMA],
    )
    def k(table_hbm, idx_hbm, out_hbm, idx_v, rows_v, sem):
        wid = lax.axis_index("s") * _NC + lax.axis_index("c")
        base = wid * _BPW
        for c in range(_BPW // _CHUNK):
            off = base + c * _CHUNK
            pltpu.sync_copy(idx_hbm.at[pl.ds(off, _CHUNK)], idx_v)
            pltpu.async_copy(table_hbm.at[idx_v], rows_v, sem).wait()
            pltpu.sync_copy(rows_v, out_hbm.at[pl.ds(off, _CHUNK)])

    return k(Wpad, idx)


def _unpad_kernel(qp_ref, q_ref):
    q_ref[...] = qp_ref[:, :_ED]


def kernel(X, W):
    acov = _acov_preshift(_extract(X))
    flat_pre = acov.reshape(_NROWS, _ED)

    nblk = _NROWS // _BM
    idx2d, loss, perp = pl.pallas_call(
        _vq_kernel,
        grid=(nblk,),
        in_specs=[pl.BlockSpec((_BM, _ED), lambda i: (i, 0)),
                  pl.BlockSpec((_NE, _ED), lambda i: (0, 0))],
        out_specs=[pl.BlockSpec((_BM, 1), lambda i: (i, 0)),
                   pl.BlockSpec((1, 1), lambda i: (0, 0)),
                   pl.BlockSpec((1, 1), lambda i: (0, 0))],
        out_shape=[jax.ShapeDtypeStruct((_NROWS, 1), jnp.int32),
                   jax.ShapeDtypeStruct((1, 1), jnp.float32),
                   jax.ShapeDtypeStruct((1, 1), jnp.float32)],
        scratch_shapes=[pltpu.VMEM((1, _NE), jnp.float32),
                        pltpu.VMEM((1, 1), jnp.float32)],
        compiler_params=pltpu.CompilerParams(
            dimension_semantics=("arbitrary",)),
    )(flat_pre, W)

    idx_final = idx2d[:, 0][jnp.asarray(_PERM)]
    Wpad = jnp.concatenate(
        [W, jnp.zeros((_NE, _EDP - _ED), jnp.float32)], axis=1)
    q_pad = _sc_gather(Wpad, idx_final)
    q = pl.pallas_call(
        _unpad_kernel,
        grid=(_NROWS // 512,),
        in_specs=[pl.BlockSpec((512, _EDP), lambda i: (i, 0))],
        out_specs=pl.BlockSpec((512, _ED), lambda i: (i, 0)),
        out_shape=jax.ShapeDtypeStruct((_NROWS, _ED), jnp.float32),
        compiler_params=pltpu.CompilerParams(
            dimension_semantics=("arbitrary",)),
    )(q_pad)
    return loss[0, 0], q.reshape(_B, _OUT_CH, _IN_CH, _K), perp[0, 0]

# --- scband reference (transcript-rebuilt; emitter-appended) ---
"""Pipeline reference for scband-model-57595511439941 (READ-ONLY COPY).

The authoritative reference and input builder live on the scoring server;
editing this copy changes nothing except your own understanding.
"""

import jax, jax.numpy as jnp
import numpy as np

B = 32
IN_CH = 4
T = 16384
OUT_CH = 32
KERNEL = 1023
NUM_EMB = 1024
EMB_DIM = 1023
COMMIT = 0.25


def setup_inputs(seed: int = 0) -> dict:
    key = jax.random.key(seed)
    k1, k2 = jax.random.split(key)
    X = jax.random.normal(k1, (B, IN_CH, T), dtype=jnp.float32)
    # VQ codebook, initialized uniform(-1/K, 1/K) like the torch module
    W = jax.random.uniform(k2, (NUM_EMB, EMB_DIM), dtype=jnp.float32,
                           minval=-1.0 / NUM_EMB, maxval=1.0 / NUM_EMB)
    return {"X": X, "W": W}


def _autocovariance(f):
    # torch: hann window, normalize by max-abs, rfft()**2, irfft(|.|), ifftshift over ALL dims
    eps = jnp.finfo(f.dtype).eps
    n = f.shape[-1]
    fmax = jnp.max(jnp.abs(f), axis=-1, keepdims=True)
    fmax = jnp.where(fmax == 0, eps, fmax)
    win = 0.5 * (1.0 - jnp.cos(2.0 * jnp.pi * jnp.arange(n, dtype=f.dtype) / n))
    wd = f * win / fmax
    spec = jnp.fft.rfft(wd, n=n) ** 2
    acov = jnp.fft.ifftshift(jnp.fft.irfft(jnp.abs(spec), n=n))
    return acov.astype(f.dtype)


def _extract_filters(X):
    # LocalPatternFilter with filter_selection_mode='fixed':
    # PadForConv pads X to a multiple of kernel_size before computing `end`.
    t = X.shape[-1]
    padded = int(np.ceil(t / KERNEL) * KERNEL)
    end = padded - KERNEL - 1 - KERNEL
    positions = jnp.linspace(0.0, float(end), OUT_CH).astype(jnp.int32)
    idx = positions[:, None] + jnp.arange(KERNEL, dtype=jnp.int32)[None, :]  # (OUT_CH, KERNEL)
    filt = X[:, :, idx]                      # (B, IN_CH, OUT_CH, KERNEL) gather
    filt = jnp.transpose(filt, (0, 2, 1, 3))  # (B, OUT_CH, IN_CH, KERNEL)
    return filt


def reference(X, W):
    # encoder: extract local frames + autocovariance -> filters
    filters = _autocovariance(_extract_filters(X))  # (B, OUT_CH, IN_CH, KERNEL)
    inputs = filters
    flat = inputs.reshape(-1, EMB_DIM)
    # VQ: squared L2 distances to codebook
    d = (jnp.sum(flat ** 2, axis=1, keepdims=True)
         + jnp.sum(W ** 2, axis=1)
         - 2.0 * flat @ W.T)
    enc_idx = jnp.argmin(d, axis=1)
    encodings = jax.nn.one_hot(enc_idx, NUM_EMB, dtype=jnp.float32)
    quantized = (encodings @ W).reshape(inputs.shape)
    e_latent = jnp.mean((jax.lax.stop_gradient(quantized) - inputs) ** 2)
    q_latent = jnp.mean((quantized - jax.lax.stop_gradient(inputs)) ** 2)
    loss = q_latent + COMMIT * e_latent
    quantized_st = inputs + jax.lax.stop_gradient(quantized - inputs)
    eps = jnp.finfo(inputs.dtype).eps
    avg_probs = jnp.mean(encodings, axis=0)
    perplexity = jnp.exp(-jnp.sum(avg_probs * jnp.log(avg_probs + eps)))
    return (loss, quantized_st, perplexity)

if __name__ == "__main__":
    import jax
    _d = setup_inputs()
    print(jax.jit(kernel)(*tuple(_d.values())))

</pallas_src>

<mosaic_0001>
#map = affine_map<(d0, d1) -> (0, 0)>
#map1 = affine_map<(d0, d1) -> (0)>
module attributes {stable_mosaic.version = 14 : i64} {
  func.func @k(%arg0: i32, %arg1: i32, %arg2: memref<1024x1024xf32, #tpu.memory_space<hbm>>, %arg3: memref<4096xi32, #tpu.memory_space<hbm>>, %arg4: memref<4096x1024xf32, #tpu.memory_space<hbm>>, %arg5: memref<64xi32, #tpu.memory_space<vmem>>, %arg6: memref<64x1024xf32, #tpu.memory_space<vmem>>, %arg7: memref<!tpu.dma_semaphore, #tpu.memory_space<semaphore_mem>>) attributes {dimension_semantics = [#tpu.dimension_semantics<core_parallel>, #tpu.dimension_semantics<subcore_parallel>], iteration_bounds = array<i64: 2, 16>, scalar_prefetch = 0 : i64, scratch_operands = 3 : i64, tpu.core_type = #tpu.core_type<sc_vector_subcore>, window_params = [{transform_indices = #map}, {transform_indices = #map1}, {transform_indices = #map}]} {
    %mul3A = arith.constant 2 : i32
    %mul3A_0 = arith.muli %arg1, %mul3A : i32
    %add3A = arith.addi %mul3A_0, %arg0 : i32
    %mul3A_1 = arith.constant 128 : i32
    %mul3A_2 = arith.muli %add3A, %mul3A_1 : i32
    %add3A_3 = arith.constant 0 : i32
    %add3A_4 = arith.addi %mul3A_2, %add3A_3 : i32
    "tpu.region"() ({
      %run_scoped3A = tpu.sem_alloc : memref<!tpu.dma_semaphore, #tpu.memory_space<semaphore_mem>>
      %dma_start3A_17 = tpu.memref_slice %arg3[%add3A_4] : memref<4096xi32, #tpu.memory_space<hbm>> -> memref<64xi32, #tpu.memory_space<hbm>>
      %dma_start3A_18 = tpu.memref_slice %arg3[%add3A_4] : memref<4096xi32, #tpu.memory_space<hbm>> -> memref<64xi32, #tpu.memory_space<hbm>>
      tpu.enqueue_dma source(%dma_start3A_18 : memref<64xi32, #tpu.memory_space<hbm>>) target(%arg5 : memref<64xi32, #tpu.memory_space<vmem>>) target_semaphore(%run_scoped3A : memref<!tpu.dma_semaphore, #tpu.memory_space<semaphore_mem>>)
      %dma_wait3A_19 = tpu.memref_slice %arg3[%add3A_4] : memref<4096xi32, #tpu.memory_space<hbm>> -> memref<64xi32, #tpu.memory_space<hbm>>
      %dma_wait3A_20 = tpu.memref_slice %arg3[%add3A_4] : memref<4096xi32, #tpu.memory_space<hbm>> -> memref<64xi32, #tpu.memory_space<hbm>>
      tpu.wait_dma2 semaphore(%run_scoped3A : memref<!tpu.dma_semaphore, #tpu.memory_space<semaphore_mem>>) src(%dma_wait3A_20 : memref<64xi32, #tpu.memory_space<hbm>>) dst(%arg5 : memref<64xi32, #tpu.memory_space<vmem>>)
      tpu.yield
    }) : () -> ()
    %dma_start3A = arith.constant 0 : i32
    %dma_start3A_5 = arith.constant 0 : i32
    %dma_start3A_6 = tpu.memref_slice %arg2[%dma_start3A, %dma_start3A_5] : memref<1024x1024xf32, #tpu.memory_space<hbm>> -> memref<1024x1024xf32, #tpu.memory_space<hbm>>
    tpu.enqueue_indirect_dma source(%dma_start3A_6 : memref<1024x1024xf32, #tpu.memory_space<hbm>>) target(%arg6 : memref<64x1024xf32, #tpu.memory_space<vmem>>) offsets(%arg5 : memref<64xi32, #tpu.memory_space<vmem>>) semaphore(%arg7 : memref<!tpu.dma_semaphore, #tpu.memory_space<semaphore_mem>>)
    %dma_wait3A = arith.constant 0 : i32
    %dma_wait3A_7 = arith.constant 0 : i32
    %dma_wait3A_8 = tpu.memref_slice %arg2[%dma_wait3A, %dma_wait3A_7] : memref<1024x1024xf32, #tpu.memory_space<hbm>> -> memref<1024x1024xf32, #tpu.memory_space<hbm>>
    tpu.wait_indirect_dma semaphore(%arg7 : memref<!tpu.dma_semaphore, #tpu.memory_space<semaphore_mem>>) src(%dma_wait3A_8 : memref<1024x1024xf32, #tpu.memory_space<hbm>>) dst(%arg6 : memref<64x1024xf32, #tpu.memory_space<vmem>>)
    "tpu.region"() ({
      %run_scoped3A = tpu.sem_alloc : memref<!tpu.dma_semaphore, #tpu.memory_space<semaphore_mem>>
      %dma_start3A_17 = arith.constant 0 : i32
      %dma_start3A_18 = tpu.memref_slice %arg4[%add3A_4, %dma_start3A_17] : memref<4096x1024xf32, #tpu.memory_space<hbm>> -> memref<64x1024xf32, #tpu.memory_space<hbm>>
      %dma_start3A_19 = arith.constant 0 : i32
      %dma_start3A_20 = tpu.memref_slice %arg4[%add3A_4, %dma_start3A_19] : memref<4096x1024xf32, #tpu.memory_space<hbm>> -> memref<64x1024xf32, #tpu.memory_space<hbm>>
      tpu.enqueue_dma source(%arg6 : memref<64x1024xf32, #tpu.memory_space<vmem>>) target(%dma_start3A_20 : memref<64x1024xf32, #tpu.memory_space<hbm>>) target_semaphore(%run_scoped3A : memref<!tpu.dma_semaphore, #tpu.memory_space<semaphore_mem>>)
      %dma_wait3A_21 = arith.constant 0 : i32
      %dma_wait3A_22 = tpu.memref_slice %arg4[%add3A_4, %dma_wait3A_21] : memref<4096x1024xf32, #tpu.memory_space<hbm>> -> memref<64x1024xf32, #tpu.memory_space<hbm>>
      %dma_wait3A_23 = arith.constant 0 : i32
      %dma_wait3A_24 = tpu.memref_slice %arg4[%add3A_4, %dma_wait3A_23] : memref<4096x1024xf32, #tpu.memory_space<hbm>> -> memref<64x1024xf32, #tpu.memory_space<hbm>>
      tpu.wait_dma2 semaphore(%run_scoped3A : memref<!tpu.dma_semaphore, #tpu.memory_space<semaphore_mem>>) src(%arg6 : memref<64x1024xf32, #tpu.memory_space<vmem>>) dst(%dma_wait3A_24 : memref<64x1024xf32, #tpu.memory_space<hbm>>)
      tpu.yield
    }) : () -> ()
    %add3A_9 = arith.constant 64 : i32
    %add3A_10 = arith.addi %mul3A_2, %add3A_9 : i32
    "tpu.region"() ({
      %run_scoped3A = tpu.sem_alloc : memref<!tpu.dma_semaphore, #tpu.memory_space<semaphore_mem>>
      %dma_start3A_17 = tpu.memref_slice %arg3[%add3A_10] : memref<4096xi32, #tpu.memory_space<hbm>> -> memref<64xi32, #tpu.memory_space<hbm>>
      %dma_start3A_18 = tpu.memref_slice %arg3[%add3A_10] : memref<4096xi32, #tpu.memory_space<hbm>> -> memref<64xi32, #tpu.memory_space<hbm>>
      tpu.enqueue_dma source(%dma_start3A_18 : memref<64xi32, #tpu.memory_space<hbm>>) target(%arg5 : memref<64xi32, #tpu.memory_space<vmem>>) target_semaphore(%run_scoped3A : memref<!tpu.dma_semaphore, #tpu.memory_space<semaphore_mem>>)
      %dma_wait3A_19 = tpu.memref_slice %arg3[%add3A_10] : memref<4096xi32, #tpu.memory_space<hbm>> -> memref<64xi32, #tpu.memory_space<hbm>>
      %dma_wait3A_20 = tpu.memref_slice %arg3[%add3A_10] : memref<4096xi32, #tpu.memory_space<hbm>> -> memref<64xi32, #tpu.memory_space<hbm>>
      tpu.wait_dma2 semaphore(%run_scoped3A : memref<!tpu.dma_semaphore, #tpu.memory_space<semaphore_mem>>) src(%dma_wait3A_20 : memref<64xi32, #tpu.memory_space<hbm>>) dst(%arg5 : memref<64xi32, #tpu.memory_space<vmem>>)
      tpu.yield
    }) : () -> ()
    %dma_start3A_11 = arith.constant 0 : i32
    %dma_start3A_12 = arith.constant 0 : i32
    %dma_start3A_13 = tpu.memref_slice %arg2[%dma_start3A_11, %dma_start3A_12] : memref<1024x1024xf32, #tpu.memory_space<hbm>> -> memref<1024x1024xf32, #tpu.memory_space<hbm>>
    tpu.enqueue_indirect_dma source(%dma_start3A_13 : memref<1024x1024xf32, #tpu.memory_space<hbm>>) target(%arg6 : memref<64x1024xf32, #tpu.memory_space<vmem>>) offsets(%arg5 : memref<64xi32, #tpu.memory_space<vmem>>) semaphore(%arg7 : memref<!tpu.dma_semaphore, #tpu.memory_space<semaphore_mem>>)
    %dma_wait3A_14 = arith.constant 0 : i32
    %dma_wait3A_15 = arith.constant 0 : i32
    %dma_wait3A_16 = tpu.memref_slice %arg2[%dma_wait3A_14, %dma_wait3A_15] : memref<1024x1024xf32, #tpu.memory_space<hbm>> -> memref<1024x1024xf32, #tpu.memory_space<hbm>>
    tpu.wait_indirect_dma semaphore(%arg7 : memref<!tpu.dma_semaphore, #tpu.memory_space<semaphore_mem>>) src(%dma_wait3A_16 : memref<1024x1024xf32, #tpu.memory_space<hbm>>) dst(%arg6 : memref<64x1024xf32, #tpu.memory_space<vmem>>)
    "tpu.region"() ({
      %run_scoped3A = tpu.sem_alloc : memref<!tpu.dma_semaphore, #tpu.memory_space<semaphore_mem>>
      %dma_start3A_17 = arith.constant 0 : i32
      %dma_start3A_18 = tpu.memref_slice %arg4[%add3A_10, %dma_start3A_17] : memref<4096x1024xf32, #tpu.memory_space<hbm>> -> memref<64x1024xf32, #tpu.memory_space<hbm>>
      %dma_start3A_19 = arith.constant 0 : i32
      %dma_start3A_20 = tpu.memref_slice %arg4[%add3A_10, %dma_start3A_19] : memref<4096x1024xf32, #tpu.memory_space<hbm>> -> memref<64x1024xf32, #tpu.memory_space<hbm>>
      tpu.enqueue_dma source(%arg6 : memref<64x1024xf32, #tpu.memory_space<vmem>>) target(%dma_start3A_20 : memref<64x1024xf32, #tpu.memory_space<hbm>>) target_semaphore(%run_scoped3A : memref<!tpu.dma_semaphore, #tpu.memory_space<semaphore_mem>>)
      %dma_wait3A_21 = arith.constant 0 : i32
      %dma_wait3A_22 = tpu.memref_slice %arg4[%add3A_10, %dma_wait3A_21] : memref<4096x1024xf32, #tpu.memory_space<hbm>> -> memref<64x1024xf32, #tpu.memory_space<hbm>>
      %dma_wait3A_23 = arith.constant 0 : i32
      %dma_wait3A_24 = tpu.memref_slice %arg4[%add3A_10, %dma_wait3A_23] : memref<4096x1024xf32, #tpu.memory_space<hbm>> -> memref<64x1024xf32, #tpu.memory_space<hbm>>
      tpu.wait_dma2 semaphore(%run_scoped3A : memref<!tpu.dma_semaphore, #tpu.memory_space<semaphore_mem>>) src(%arg6 : memref<64x1024xf32, #tpu.memory_space<vmem>>) dst(%dma_wait3A_24 : memref<64x1024xf32, #tpu.memory_space<hbm>>)
      tpu.yield
    }) : () -> ()
    return
  }
}

module attributes {stable_mosaic.version = 14 : i64} {
  func.func @_vq_kernel(%arg0: i32, %arg1: memref<512x1023xf32, #tpu.memory_space<vmem>>, %arg2: memref<1024x1023xf32, #tpu.memory_space<vmem>>, %arg3: memref<512x1xi32, #tpu.memory_space<vmem>>, %arg4: memref<1x1xf32, #tpu.memory_space<vmem>>, %arg5: memref<1x1xf32, #tpu.memory_space<vmem>>, %arg6: memref<1x1024xf32, #tpu.memory_space<vmem>>, %arg7: memref<1x1xf32, #tpu.memory_space<vmem>>) attributes {dimension_semantics = [#tpu.dimension_semantics<arbitrary>], iteration_bounds = array<i64: 8>, scalar_prefetch = 0 : i64, scratch_operands = 2 : i64, tpu.core_type = #tpu.core_type<tc>, window_params = [{transform_indices = @transform_0, window_bounds = array<i64: 512, 1023>}, {pipeline_mode = #tpu.pipeline_mode<synchronous>, transform_indices = @transform_1, window_bounds = array<i64: 1024, 1023>}, {transform_indices = @transform_2, window_bounds = array<i64: 512, 1>}, {pipeline_mode = #tpu.pipeline_mode<synchronous>, transform_indices = @transform_3, window_bounds = array<i64: 1, 1>}, {pipeline_mode = #tpu.pipeline_mode<synchronous>, transform_indices = @transform_4, window_bounds = array<i64: 1, 1>}]} {
    %get3A = arith.constant 0 : index
    %get3A_0 = arith.constant 0 : index
    %get3A_1 = vector.load %arg1[%get3A, %get3A_0] : memref<512x1023xf32, #tpu.memory_space<vmem>>, vector<512x1023xf32>
    %slice3A = vector.extract_strided_slice %get3A_1 {offsets = [0, 511], sizes = [512, 512], strides = [1, 1]} : vector<512x1023xf32> to vector<512x512xf32>
    %slice3A_2 = vector.extract_strided_slice %get3A_1 {offsets = [0, 0], sizes = [512, 511], strides = [1, 1]} : vector<512x1023xf32> to vector<512x511xf32>
    %concatenate3A = tpu.concatenate %slice3A, %slice3A_2 in 1 : vector<512x512xf32>, vector<512x511xf32> -> vector<512x1023xf32>
    %get3A_3 = arith.constant 0 : index
    %get3A_4 = arith.constant 0 : index
    %get3A_5 = vector.load %arg2[%get3A_3, %get3A_4] : memref<1024x1023xf32, #tpu.memory_space<vmem>>, vector<1024x1023xf32>
    %mul3A = arith.mulf %concatenate3A, %concatenate3A : vector<512x1023xf32>
    %reduce_sum3A = arith.constant dense<0.000000e+00> : vector<512xf32>
    %reduce_sum3A_6 = vector.multi_reduction <add>, %mul3A, %reduce_sum3A [1] : vector<512x1023xf32> to vector<512xf32>
    %broadcast_in_dim3A = vector.shape_cast %reduce_sum3A_6 : vector<512xf32> to vector<512x1xf32>
    %mul3A_7 = arith.mulf %get3A_5, %get3A_5 : vector<1024x1023xf32>
    %reduce_sum3A_8 = arith.constant dense<0.000000e+00> : vector<1024xf32>
    %reduce_sum3A_9 = vector.multi_reduction <add>, %mul3A_7, %reduce_sum3A_8 [1] : vector<1024x1023xf32> to vector<1024xf32>
    %dot_general3A = arith.constant dense<0.000000e+00> : vector<512x1024xf32>
    %dot_general3A_10 = tpu.matmul %concatenate3A, %get3A_5, %dot_general3A {dimension_numbers = #tpu.dot_dimension_numbers<[1], [1], [0], [0], [0, 0, 1, 0], [], []>, transpose_lhs_hint = false} : vector<512x1023xf32>, vector<1024x1023xf32>, vector<512x1024xf32> -> vector<512x1024xf32>
    %broadcast_in_dim3A_11 = vector.shape_cast %reduce_sum3A_9 : vector<1024xf32> to vector<1x1024xf32>
    %add3A = vector.broadcast %broadcast_in_dim3A : vector<512x1xf32> to vector<512x1024xf32>
    %add3A_12 = vector.broadcast %broadcast_in_dim3A_11 : vector<1x1024xf32> to vector<512x1024xf32>
    %add3A_13 = arith.addf %add3A, %add3A_12 : vector<512x1024xf32>
    %mul3A_14 = arith.constant 2.000000e+00 : f32
    %mul3A_15 = vector.broadcast %mul3A_14 : f32 to vector<512x1024xf32>
    %mul3A_16 = arith.mulf %mul3A_15, %dot_general3A_10 : vector<512x1024xf32>
    %sub3A = arith.subf %add3A_13, %mul3A_16 : vector<512x1024xf32>
    %reduce_min3A = arith.constant dense<0x7F800000> : vector<512xf32>
    %reduce_min3A_17 = vector.multi_reduction <minimumf>, %sub3A, %reduce_min3A [1] : vector<512x1024xf32> to vector<512xf32>
    %broadcast_in_dim3A_18 = vector.shape_cast %reduce_min3A_17 : vector<512xf32> to vector<512x1xf32>
    %iota3A = tpu.iota {dimensions = array<i32: 1>} : vector<512x1024xi32>
    %eq3A = vector.broadcast %broadcast_in_dim3A_18 : vector<512x1xf32> to vector<512x1024xf32>
    %eq3A_19 = arith.cmpf oeq, %sub3A, %eq3A : vector<512x1024xf32>
    %jit3A = arith.constant 1073741824 : i32
    %broadcast_in_dim3A_20 = vector.broadcast %jit3A : i32 to vector<512x1024xi32>
    %select_n3A = arith.select %eq3A_19, %iota3A, %broadcast_in_dim3A_20 : vector<512x1024xi1>, vector<512x1024xi32>
    %reduce_min3A_21 = arith.constant dense<2147483647> : vector<512xi32>
    %reduce_min3A_22 = vector.multi_reduction <minsi>, %select_n3A, %reduce_min3A_21 [1] : vector<512x1024xi32> to vector<512xi32>
    %broadcast_in_dim3A_23 = vector.shape_cast %reduce_min3A_22 : vector<512xi32> to vector<512x1xi32>
    %swap3A = arith.constant 0 : index
    %swap3A_24 = arith.constant 0 : index
    %swap3A_25 = vector.load %arg3[%swap3A, %swap3A_24] : memref<512x1xi32, #tpu.memory_space<vmem>>, vector<512x1xi32>
    tpu.vector_store %arg3[%swap3A, %swap3A_24], %broadcast_in_dim3A_23 {strides = array<i32>} : memref<512x1xi32, #tpu.memory_space<vmem>>, vector<512x1xi32>,
    %broadcast_in_dim3A_26 = vector.shape_cast %reduce_min3A_22 : vector<512xi32> to vector<512x1xi32>
    %eq3A_27 = vector.broadcast %broadcast_in_dim3A_26 : vector<512x1xi32> to vector<512x1024xi32>
    %eq3A_28 = arith.cmpi eq, %iota3A, %eq3A_27 : vector<512x1024xi32>
    %jit3A_29 = arith.constant 1.000000e+00 : f32
    %jit3A_30 = arith.constant 0.000000e+00 : f32
    %broadcast_in_dim3A_31 = vector.broadcast %jit3A_29 : f32 to vector<512x1024xf32>
    %broadcast_in_dim3A_32 = vector.broadcast %jit3A_30 : f32 to vector<512x1024xf32>
    %select_n3A_33 = arith.select %eq3A_28, %broadcast_in_dim3A_31, %broadcast_in_dim3A_32 : vector<512x1024xi1>, vector<512x1024xf32>
    %reduce_sum3A_34 = arith.constant dense<0.000000e+00> : vector<1024xf32>
    %reduce_sum3A_35 = vector.multi_reduction <add>, %select_n3A_33, %reduce_sum3A_34 [0] : vector<512x1024xf32> to vector<1024xf32>
    %broadcast_in_dim3A_36 = vector.shape_cast %reduce_sum3A_35 : vector<1024xf32> to vector<1x1024xf32>
    %reduce_sum3A_37 = vector.shape_cast %broadcast_in_dim3A_18 : vector<512x1xf32> to vector<1x512x1xf32>
    %reduce_sum3A_38 = arith.constant dense<0.000000e+00> : vector<1xf32>
    %reduce_sum3A_39 = vector.multi_reduction <add>, %reduce_sum3A_37, %reduce_sum3A_38 [1, 2] : vector<1x512x1xf32> to vector<1xf32>
    %reduce_sum3A_40 = vector.shape_cast %reduce_sum3A_39 : vector<1xf32> to vector<1x1x1xf32>
    %reduce_sum3A_41 = vector.extract %reduce_sum3A_40[0, 0, 0] : f32 from vector<1x1x1xf32>
    %reshape3A = vector.broadcast %reduce_sum3A_41 : f32 to vector<1x1xf32>
    %eq3A_42 = arith.constant 0 : i32
    %eq3A_43 = arith.cmpi eq, %arg0, %eq3A_42 : i32
    %convert_element_type3A = arith.extui %eq3A_43 : i1 to i32
    %cond3A = arith.constant 0 : i32
    %cond3A_44 = arith.cmpi ne, %convert_element_type3A, %cond3A : i32
    scf.if %cond3A_44 {
      %swap3A_54 = arith.constant 0 : index
      %swap3A_55 = arith.constant 0 : index
      %swap3A_56 = vector.load %arg6[%swap3A_54, %swap3A_55] : memref<1x1024xf32, #tpu.memory_space<vmem>>, vector<1x1024xf32>
      tpu.vector_store %arg6[%swap3A_54, %swap3A_55], %broadcast_in_dim3A_36 {strides = array<i32>} : memref<1x1024xf32, #tpu.memory_space<vmem>>, vector<1x1024xf32>,
      %swap3A_57 = arith.constant 0 : index
      %swap3A_58 = arith.constant 0 : index
      %swap3A_59 = vector.load %arg7[%swap3A_57, %swap3A_58] : memref<1x1xf32, #tpu.memory_space<vmem>>, vector<1x1xf32>
      tpu.vector_store %arg7[%swap3A_57, %swap3A_58], %reshape3A {strides = array<i32>} : memref<1x1xf32, #tpu.memory_space<vmem>>, vector<1x1xf32>,
    } else {
    }
    %gt3A = arith.constant 0 : i32
    %gt3A_45 = arith.cmpi sgt, %arg0, %gt3A : i32
    %convert_element_type3A_46 = arith.extui %gt3A_45 : i1 to i32
    %cond3A_47 = arith.constant 0 : i32
    %cond3A_48 = arith.cmpi ne, %convert_element_type3A_46, %cond3A_47 : i32
    scf.if %cond3A_48 {
      %get3A_54 = arith.constant 0 : index
      %get3A_55 = arith.constant 0 : index
      %get3A_56 = vector.load %arg6[%get3A_54, %get3A_55] : memref<1x1024xf32, #tpu.memory_space<vmem>>, vector<1x1024xf32>
      %add3A_57 = arith.addf %get3A_56, %broadcast_in_dim3A_36 : vector<1x1024xf32>
      %swap3A_58 = arith.constant 0 : index
      %swap3A_59 = arith.constant 0 : index
      %swap3A_60 = vector.load %arg6[%swap3A_58, %swap3A_59] : memref<1x1024xf32, #tpu.memory_space<vmem>>, vector<1x1024xf32>
      tpu.vector_store %arg6[%swap3A_58, %swap3A_59], %add3A_57 {strides = array<i32>} : memref<1x1024xf32, #tpu.memory_space<vmem>>, vector<1x1024xf32>,
      %get3A_61 = arith.constant 0 : index
      %get3A_62 = arith.constant 0 : index
      %get3A_63 = vector.load %arg7[%get3A_61, %get3A_62] : memref<1x1xf32, #tpu.memory_space<vmem>>, vector<1x1xf32>
      %add3A_64 = arith.addf %get3A_63, %reshape3A : vector<1x1xf32>
      %swap3A_65 = arith.constant 0 : index
      %swap3A_66 = arith.constant 0 : index
      %swap3A_67 = vector.load %arg7[%swap3A_65, %swap3A_66] : memref<1x1xf32, #tpu.memory_space<vmem>>, vector<1x1xf32>
      tpu.vector_store %arg7[%swap3A_65, %swap3A_66], %add3A_64 {strides = array<i32>} : memref<1x1xf32, #tpu.memory_space<vmem>>, vector<1x1xf32>,
    } else {
    }
    %eq3A_49 = arith.constant 7 : i32
    %eq3A_50 = arith.cmpi eq, %arg0, %eq3A_49 : i32
    %convert_element_type3A_51 = arith.extui %eq3A_50 : i1 to i32
    %cond3A_52 = arith.constant 0 : i32
    %cond3A_53 = arith.cmpi ne, %convert_element_type3A_51, %cond3A_52 : i32
    scf.if %cond3A_53 {
      %get3A_54 = arith.constant 0 : index
      %get3A_55 = arith.constant 0 : index
      %get3A_56 = vector.load %arg7[%get3A_54, %get3A_55] : memref<1x1xf32, #tpu.memory_space<vmem>>, vector<1x1xf32>
      %div3A = arith.constant 0x4A7FC000 : f32
      %div3A_57 = vector.broadcast %div3A : f32 to vector<1x1xf32>
      %div3A_58 = arith.divf %get3A_56, %div3A_57 : vector<1x1xf32>
      %mul3A_59 = arith.constant 2.500000e-01 : f32
      %mul3A_60 = vector.broadcast %mul3A_59 : f32 to vector<1x1xf32>
      %mul3A_61 = arith.mulf %mul3A_60, %div3A_58 : vector<1x1xf32>
      %add3A_62 = arith.addf %div3A_58, %mul3A_61 : vector<1x1xf32>
      %swap3A_63 = arith.constant 0 : index
      %swap3A_64 = arith.constant 0 : index
      %swap3A_65 = vector.load %arg4[%swap3A_63, %swap3A_64] : memref<1x1xf32, #tpu.memory_space<vmem>>, vector<1x1xf32>
      tpu.vector_store %arg4[%swap3A_63, %swap3A_64], %add3A_62 {strides = array<i32>} : memref<1x1xf32, #tpu.memory_space<vmem>>, vector<1x1xf32>,
      %get3A_66 = arith.constant 0 : index
      %get3A_67 = arith.constant 0 : index
      %get3A_68 = vector.load %arg6[%get3A_66, %get3A_67] : memref<1x1024xf32, #tpu.memory_space<vmem>>, vector<1x1024xf32>
      %div3A_69 = arith.constant 4.096000e+03 : f32
      %div3A_70 = vector.broadcast %div3A_69 : f32 to vector<1x1024xf32>
      %div3A_71 = arith.divf %get3A_68, %div3A_70 : vector<1x1024xf32>
      %add3A_72 = arith.constant 1.1920929E-7 : f32
      %add3A_73 = vector.broadcast %add3A_72 : f32 to vector<1x1024xf32>
      %add3A_74 = arith.addf %div3A_71, %add3A_73 : vector<1x1024xf32>
      %log3A = math.log %add3A_74 : vector<1x1024xf32>
      %mul3A_75 = arith.mulf %div3A_71, %log3A : vector<1x1024xf32>
      %reduce_sum3A_76 = vector.shape_cast %mul3A_75 : vector<1x1024xf32> to vector<1x1x1024xf32>
      %reduce_sum3A_77 = arith.constant dense<0.000000e+00> : vector<1xf32>
      %reduce_sum3A_78 = vector.multi_reduction <add>, %reduce_sum3A_76, %reduce_sum3A_77 [1, 2] : vector<1x1x1024xf32> to vector<1xf32>
      %reduce_sum3A_79 = vector.shape_cast %reduce_sum3A_78 : vector<1xf32> to vector<1x1x1xf32>
      %reduce_sum3A_80 = vector.extract %reduce_sum3A_79[0, 0, 0] : f32 from vector<1x1x1xf32>
      %neg3A = arith.constant 0.000000e+00 : f32
      %neg3A_81 = arith.subf %neg3A, %reduce_sum3A_80 : f32
      %exp3A = math.exp %neg3A_81 : f32
      %reshape3A_82 = vector.broadcast %exp3A : f32 to vector<1x1xf32>
      %swap3A_83 = arith.constant 0 : index
      %swap3A_84 = arith.constant 0 : index
      %swap3A_85 = vector.load %arg5[%swap3A_83, %swap3A_84] : memref<1x1xf32, #tpu.memory_space<vmem>>, vector<1x1xf32>
      tpu.vector_store %arg5[%swap3A_83, %swap3A_84], %reshape3A_82 {strides = array<i32>} : memref<1x1xf32, #tpu.memory_space<vmem>>, vector<1x1xf32>,
    } else {
    }
    return
  }
  func.func @transform_0(%arg0: i32) -> (i32, i32) {
    %c0_i32 = arith.constant 0 : i32
    %c0_i32_0 = arith.constant 0 : i32
    return %arg0, %c0_i32 : i32, i32
  }
  func.func @transform_1(%arg0: i32) -> (i32, i32) {
    %c0_i32 = arith.constant 0 : i32
    %c0_i32_0 = arith.constant 0 : i32
    %c0_i32_1 = arith.constant 0 : i32
    return %c0_i32, %c0_i32_0 : i32, i32
  }
  func.func @transform_2(%arg0: i32) -> (i32, i32) {
    %c0_i32 = arith.constant 0 : i32
    %c0_i32_0 = arith.constant 0 : i32
    return %arg0, %c0_i32 : i32, i32
  }
  func.func @transform_3(%arg0: i32) -> (i32, i32) {
    %c0_i32 = arith.constant 0 : i32
    %c0_i32_0 = arith.constant 0 : i32
    %c0_i32_1 = arith.constant 0 : i32
    return %c0_i32, %c0_i32_0 : i32, i32
  }
  func.func @transform_4(%arg0: i32) -> (i32, i32) {
    %c0_i32 = arith.constant 0 : i32
    %c0_i32_0 = arith.constant 0 : i32
    %c0_i32_1 = arith.constant 0 : i32
    return %c0_i32, %c0_i32_0 : i32, i32
  }
}

module attributes {stable_mosaic.version = 14 : i64} {
  func.func @_unpad_kernel(%arg0: i32, %arg1: memref<512x1024xf32, #tpu.memory_space<vmem>>, %arg2: memref<512x1023xf32, #tpu.memory_space<vmem>>) attributes {dimension_semantics = [#tpu.dimension_semantics<arbitrary>], iteration_bounds = array<i64: 8>, scalar_prefetch = 0 : i64, scratch_operands = 0 : i64, tpu.core_type = #tpu.core_type<tc>, window_params = [{transform_indices = @transform_0, window_bounds = array<i64: 512, 1024>}, {transform_indices = @transform_1, window_bounds = array<i64: 512, 1023>}]} {
    %get3A = arith.constant 0 : index
    %get3A_0 = arith.constant 0 : index
    %get3A_1 = vector.load %arg1[%get3A, %get3A_0] : memref<512x1024xf32, #tpu.memory_space<vmem>>, vector<512x1023xf32>
    %swap3A = arith.constant 0 : index
    %swap3A_2 = arith.constant 0 : index
    %swap3A_3 = vector.load %arg2[%swap3A, %swap3A_2] : memref<512x1023xf32, #tpu.memory_space<vmem>>, vector<512x1023xf32>
    tpu.vector_store %arg2[%swap3A, %swap3A_2], %get3A_1 {strides = array<i32>} : memref<512x1023xf32, #tpu.memory_space<vmem>>, vector<512x1023xf32>,
    return
  }
  func.func @transform_0(%arg0: i32) -> (i32, i32) {
    %c0_i32 = arith.constant 0 : i32
    %c0_i32_0 = arith.constant 0 : i32
    return %arg0, %c0_i32 : i32, i32
  }
  func.func @transform_1(%arg0: i32) -> (i32, i32) {
    %c0_i32 = arith.constant 0 : i32
    %c0_i32_0 = arith.constant 0 : i32
    return %arg0, %c0_i32 : i32, i32
  }
}

</mosaic_0001>

<sc_bundles>
// kernel: gather_offload_async_start.1
scs
__scs_entry_jumppad:
0x0: {  	(pc) =	sbr.rel $0x88, $3  }
0x1: {  	(tag) =	ssettag $0x0;
	lr =	simm.s32 $0x1  }
0x2: {  	[smem:$0x3F9F] =	sst lr;
	_ =	strace $0xD0000000  }
0x3: {  	_ = 	snop  }
0x4: {  	_ = 	snop  }
0x5: {  	_ = 	snop  }
0x6: {  	_ = 	snop  }
0x7: {  	_ = 	snop  }
__scs_overlays_trampoline_lowered:
0x8: {  	[smem:$0x3FAE] =	sst s0  }
0x9: {  	[smem:$0x3FAF] =	sst s1  }
0xa: {  	[smem:$0x3FB0] =	sst s2  }
0xb: {  	[smem:$0x3FB1] =	sst s3  }
0xc: {  	[smem:$0x3FB2] =	sst s4  }
0xd: {  	[smem:$0x3FB3] =	sst s5  }
0xe: {  	[smem:$0x3FB4] =	sst s6  }
0xf: {  	[smem:$0x3FB5] =	sst s7  }
0x10: {  	[smem:$0x3FB6] =	sst s8  }
0x11: {  	[smem:$0x3FB7] =	sst s9;
	s0 =	simm.s32 @!p0 $0x0  }
0x12: {  	s1 =	sld [smem:$0x3F9D];
	s0 =	simm.s32 @p0 $0x1  }
0x13: {  	[smem:$0x3FB8] =	sst s0;
	s0 =	simm.s32 @!p1 $0x0  }
0x14: {  	s2 =	sld [smem:$0x3F9C];
	s0 =	simm.s32 @p1 $0x1  }
0x15: {  	[smem:$0x3FB9] =	sst s0;
	s0 =	simm.s32 @!p2 $0x0  }
0x16: {  	s3 =	sld [smem:$0x3FDB];
	s0 =	simm.s32 @p2 $0x1  }
0x17: {  	s4 =	simm.s32 $0x1BF5;
	[smem:$0x3FBB] =	sst s0  }
0x18: {  	s0 =	sld [smem:$0x3F9E];
	_ =	swait.ge [sflag:s4], $0x0  }
0x19: {  	s7 =	sld [smem:$0x3F9F]  }
0x1a: {  	s8 =	sadd.s32 $0xFFFFE003, lr  }
0x1b: {  	s9 =	sadd.s32 $0xFFFFFEF7, lr;
	s5 =	simm.s32 $0xFFFFFFFF;
	p2 =	slt.u32 s8, $0xFFFFF086  }
0x1c: {  	p1 =	slt.u32 s9, $0xF7A;
	s5 =	simm.s32 @!p2 $0x0  }
0x1d: {  	s5 =	simm.s32 @p1 $0x1;
	p0 =	seq.s32 s7, s2  }
0x1e: {  	s7 =	smul.u32 @!p0 $0xF7A, s2;
	p2 =	seq.s32 @!p0 s5, $0x0  }
0x1f: {  	s9 =	smul.u32 $0xF7A, s1;
	s8 =	simm.s32 @!p0 $0x1BF5;
	p2 =	por !p2, p0  }
0x20: {  	[sflag:s8] =	ssyncset.s32 @!p0 $0xFFFFF086;
	s6 =	sadd.s32 @!p0 s3, s7;
	s7 =	simm.s32 @!p0 $0x108  }
0x21: {  	s3 =	sadd.s32 s3, s9;
	s6 =	sadd.s32 @!p0 $0x88, s6;
	s7 =	simm.s32 @p2 $0x1082  }
0x22: {  	[simem:s7], [sflag:s8] =	dma.local @!p0 [hbm:s6], $0xF7A  }
0x23: {  	s9 =	sor.u32 $0xD0000000, s2;
	s6 =	simm.s32 $0x108;
	_ =	swait.ge @!p0 [sflag:s8], $0x0  }
0x24: {  	s3 =	sadd.s32 $0x88, s3;
	s6 =	simm.s32 @!p1 $0x1082;
	[sflag:s4] =	ssyncset.s32 $0xFFFFF086  }
0x25: {  	[simem:s6], [sflag:s4] =	dma.local [hbm:s3], $0xF7A  }
0x26: {  	[smem:$0x3F9F] =	sst s1;
	(tag) =	ssettag s2;
	_ =	strace s9  }
0x27: {  	s1 =	sld [smem:$0x3FAF]  }
0x28: {  	s2 =	sld [smem:$0x3FB0]  }
0x29: {  	s4 =	sld [smem:$0x3FB2]  }
0x2a: {  	p0 =	seq.s32 s5, $0x0;
	s5 =	sld [smem:$0x3FB3]  }
0x2b: {  	s6 =	sld [smem:$0x3FB4]  }
0x2c: {  	s7 =	sld [smem:$0x3FB5]  }
0x2d: {  	s3 =	simm.s32 $0x108;
	s8 =	sld [smem:$0x3FB6]  }
0x2e: {  	s3 =	simm.s32 @!p0 $0x1082;
	s9 =	sld [smem:$0x3FB7]  }
0x2f: {  	lr =	sadd.s32 s0, s3;
	s0 =	sld [smem:$0x3FAE]  }
0x30: {  	s3 =	sld [smem:$0x3FB1]  }
0x31: {  	[smem:$0x3FBA] =	sst s10  }
0x32: {  	s10 =	sld [smem:$0x3FB8];
	_ =	sdelay $0x3  }
0x33: {  	p0 =	seq.s32 s10, $0x1;
	s10 =	sld [smem:$0x3FBA];
	_ =	sdelay $0x3  }
0x34: {  	[smem:$0x3FBA] =	sst s10  }
0x35: {  	s10 =	sld [smem:$0x3FB9];
	_ =	sdelay $0x3  }
0x36: {  	p1 =	seq.s32 s10, $0x1;
	s10 =	sld [smem:$0x3FBA];
	_ =	sdelay $0x3  }
0x37: {  	[smem:$0x3FBA] =	sst s10  }
0x38: {  	s10 =	sld [smem:$0x3FBB]  }
0x39: {  	_ = 	snop;
	(pc) =	sbr.ind lr, $3  }
0x3a: {  	_ = 	snop  }
0x3b: {  	_ = 	snop  }
0x3c: {  	p2 =	seq.s32 s10, $0x1;
	s10 =	sld [smem:$0x3FBA]  }
0x3d: {  	_ =	shalt  }
0x3e: {  	_ =	shalt  }
0x3f: {  	_ =	shalt  }
0x40: {  	_ =	shalt  }
0x41: {  	_ =	shalt  }
0x42: {  	_ =	shalt  }
0x43: {  	_ =	shalt  }
0x44: {  	_ =	shalt  }
0x45: {  	_ =	shalt  }
0x46: {  	_ =	shalt  }
0x47: {  	_ =	shalt  }
0x48: {  	_ =	shalt  }
0x49: {  	_ =	shalt  }
0x4a: {  	_ =	shalt  }
0x4b: {  	_ =	shalt  }
0x4c: {  	_ =	shalt  }
0x4d: {  	_ =	shalt  }
0x4e: {  	_ =	shalt  }
0x4f: {  	_ =	shalt  }
0x50: {  	_ =	shalt  }
0x51: {  	_ =	shalt  }
0x52: {  	_ =	shalt  }
0x53: {  	_ =	shalt  }
0x54: {  	_ =	shalt  }
0x55: {  	_ =	shalt  }
0x56: {  	_ =	shalt  }
0x57: {  	_ =	shalt  }
0x58: {  	_ =	shalt  }
0x59: {  	_ =	shalt  }
0x5a: {  	_ =	shalt  }
0x5b: {  	_ =	shalt  }
0x5c: {  	_ =	shalt  }
0x5d: {  	_ =	shalt  }
0x5e: {  	_ =	shalt  }
0x5f: {  	_ =	shalt  }
0x60: {  	_ =	shalt  }
0x61: {  	_ =	shalt  }
0x62: {  	_ =	shalt  }
0x63: {  	_ =	shalt  }
0x64: {  	_ =	shalt  }
0x65: {  	_ =	shalt  }
0x66: {  	_ =	shalt  }
0x67: {  	_ =	shalt  }
0x68: {  	_ =	shalt  }
0x69: {  	_ =	shalt  }
0x6a: {  	_ =	shalt  }
0x6b: {  	_ =	shalt  }
0x6c: {  	_ =	shalt  }
0x6d: {  	_ =	shalt  }
0x6e: {  	_ =	shalt  }
0x6f: {  	_ =	shalt  }
0x70: {  	_ =	shalt  }
0x71: {  	_ =	shalt  }
0x72: {  	_ =	shalt  }
0x73: {  	_ =	shalt  }
0x74: {  	_ =	shalt  }
0x75: {  	_ =	shalt  }
0x76: {  	_ =	shalt  }
0x77: {  	_ =	shalt  }
0x78: {  	_ =	shalt  }
0x79: {  	_ =	shalt  }
0x7a: {  	_ =	shalt  }
0x7b: {  	_ =	shalt  }
0x7c: {  	_ =	shalt  }
0x7d: {  	_ =	shalt  }
0x7e: {  	_ =	shalt  }
0x7f: {  	_ =	shalt  }
0x80: {  	_ =	shalt  }
0x81: {  	_ =	shalt  }
0x82: {  	_ =	shalt  }
0x83: {  	_ =	shalt  }
0x84: {  	_ =	shalt  }
0x85: {  	_ =	shalt  }
0x86: {  	_ =	shalt  }
0x87: {  	_ =	shalt  }
.Lfunc_end0:
.L_simem_size_0:
called_computation.1_lowered:
.L_overlay_start_0:
0x88: {  	s2 =	sld [smem:$0x3FD9]  }
0x89: {  	s3 =	sld [smem:$0x3FFE];
	_ =	sdelay $0x1  }
0x8a: {  	s1 =	srdreg.scid  }
0x8b: {  	s0 =	sand.u32 $0x1, s1  }
0x8c: {  	s14 =	sshll.u32 s0, $0xA;
	s2 =	sadd.s32 s3, s2  }
0x8d: {  	s2 =	sadd.s32 s2, s14  }
0x8e: {  	[smem:$0x3FC6] =	sst s2  }
0x8f: {  	_ = 	snop  }
0x90: {  	s2 =	sld [smem:$0x3FD0];
	_ =	sdelay $0x2  }
0x91: {  	s15 =	simm.s32 $0xA;
	s4 =	simm.s32 $0x10  }
0x92: {  	[smem:s4], [sflag:s15] =	dma.local [hbm:s2], $0x1  }
0x93: {  	_ =	swait.eq [sflag:s15], $0x1  }
0x94: {  	[sflag:s15] =	ssyncset.done $0x0  }
0x95: {  	[sflag:s15] =	ssyncadd.s32 $0xFFFFFFFF  }
0x96: {  	s16 =	sld [smem:$0x11];
	(tm) =	ssettm $0x1  }
0x97: {  	s17 =	sld [smem:$0x3FFB];
	_ =	sdelay $0x3  }
0x98: {  	_ =	strace s17  }
0x99: {  	s3 =	sld [smem:$0x3FFC];
	_ =	sdelay $0x3  }
0x9a: {  	_ =	strace s3  }
0x9b: {  	s3 =	sld [smem:$0x3FFD];
	_ =	sdelay $0x3  }
0x9c: {  	_ =	strace s3  }
0x9d: {  	_ =	strace $0x8FFFFFFF  }
0x9e: {  	s18 =	sld [smem:$0x3FDB];
	_ =	sdelay $0x1  }
0x9f: {  	s19 =	simm.s32 $_scs_section_size  }
0xa0: {  	s5 =	simm.s32 $_size__tile_overlayer_lowered;
	s6 =	simm.s32 $_tile_overlayer_lowered  }
0xa1: {  	s22 =	simm.s32 $0x1BFF;
	s21 =	sshll.u32 s6, $0x1;
	s3 =	sadd.s32 s19, s18  }
0xa2: {  	s7 =	simm.s32 $0x0;
	s20 =	sshll.u32 s5, $0x1;
	s5 =	sadd.s32 s21, s3  }
0xa3: {  	[timem:s7], [sflag:s22] =	dma.local [hbm:s5], s20  }
0xa4: {  	_ =	swait.ge [sflag:s22], s20  }
0xa5: {  	s4 =	ssub.s32 $0x0, s20;
	[sflag:s22] =	ssyncset.done $0x0  }
0xa6: {  	[sflag:s22] =	ssyncadd.s32 s4;
	_ =	sdelay $0x1  }
0xa7: {  	s23 =	simm.s32 $0x1B8B  }
0xa8: {  	_ =	swait.ge [sflag:s23], $0x1  }
0xa9: {  	[sflag:s23] =	ssyncset.done $0x0  }
0xaa: {  	s25 =	simm.s32 $0x1B8E;
	s24 =	sld [smem:$0x3FFE];
	[sflag:s23] =	ssyncadd.s32 $0xFFFFFFFF  }
0xab: {  	s26 =	simm.s32 $execute0_lowered;
	[smem:$0x3FD2] =	sst s25  }
0xac: {  	s5 =	sshll.u32 s26, $0x1;
	_ =	strace $0x80000049;
	[dreg:$0x1] =	wrdreg $0xFFFFFFFF  }
0xad: {  	s28 =	simm.s32 $_size_execute0_lowered;
	s3 =	sadd.s32 s3, s5;
	[dreg:$0x0] =	wrdreg $0x0  }
0xae: {  	s5 =	sshll.u32 s28, $0x1;
	[dreg:$0x2] =	wrdreg s3  }
0xaf: {  	[dreg:$0x3] =	wrdreg s5  }
0xb0: {  	[dreg:$0x4] =	wrdreg $0xC0  }
0xb1: {  	_ =	task [dreg:s7], $0x5FFFF  }
0xb2: {  	[dreg:$0x1] =	wrdreg $0xFFFFFFFF  }
0xb3: {  	[dreg:$0x0] =	wrdreg $0x60  }
0xb4: {  	[dreg:$0x2] =	wrdreg s16  }
0xb5: {  	[dreg:$0x3] =	wrdreg s24  }
0xb6: {  	[dreg:$0x4] =	wrdreg $0x9  }
0xb7: {  	_ =	task.clear_ibuf [dreg:s7], $0x5FFFF;
	_ =	strace $0x90000049  }
0xb8: {  	s29 =	simm.s32 $0x9;
	_ =	strace $0x8000004B  }
0xb9: {  	_ =	swait.ge [sflag:s29], $0x1  }
0xba: {  	[sflag:s29] =	ssyncadd.s32 $0xFFFFFFFF  }
0xbb: {  	_ =	strace $0x9000004B  }
0xbc: {  	_ =	sfence  }
0xbd: {  	s30 =	sld [smem:$0x0];
	_ =	sdelay $0x2  }
0xbe: {  	s31 =	sshll.u32 s1, $0xD;
	s1 =	sshrl.u32 s1, $0x2  }
0xbf: {  	s3 =	sand.u32 $0x4000, s31;
	s1 =	sadd.s32 s1, s30  }
0xc0: {  	s0 =	sor.u32 s3, s0;
	s1 =	sshll.u32 s1, $0x11  }
0xc1: {  	s0 =	sor.u32 s1, s0  }
0xc2: {  	s0 =	sadd.s32 $0x8F2B, s0  }
0xc3: {  	[sflag:s0] =	ssyncadd.remote.s32 $0x1  }
0xc4: {  	_ =	sfence.sel $0xFFFF  }
0xc5: {  	[dreg:$0x0] =	wrdreg $0xFFFFFFFF;
	(pc) =	sbr.abs _section_cstart, $3  }
0xc6: {  	[dreg:$0x1] =	wrdreg $0xFFFFFFFF  }
0xc7: {  	_ =	task.clear_ibuf [dreg:s7], $0x2FFFF;
	_ =	strace $0x9FFFFFFF  }
0xc8: {  	(tm) =	ssettm $0x7FFFFFFF  }
0xc9: {  	_ =	shalt  }
tec
execute0_lowered:
.L_overlay_start_1:
0x0: {  	(tag) =	ssettag $0x1  }
0x1: {  	s2 =	rddreg [dreg:$0x0];
	s0 =	srdreg.scid  }
0x2: {  	s5 =	rddreg [dreg:$0x1];
	s1 =	stileid.u32;
	s6 =	simm.s32 $0x1  }
0x3: {  	s9 =	simm.s32 $0x1;
	s10 =	simm.s32 $0x3;
	s3 =	sshll.u32 s0, $0x6  }
0x4: {  	s13 =	simm.s32 $0x0;
	s4 =	sshll.u32 s1, $0x7;
	s3 =	sand.u32 $0x40, s3  }
0x5: {  	s0 =	rddreg [dreg:$0x2];
	_ =	strace $0x8000004A;
	s3 =	sor.u32 s4, s3  }
0x6: {  	s12 =	simm.s32 $0x0;
	[sflag:s6] =	ssyncpa.u1 $0x0;
	s8 =	ssub.s32 $0x1000, s3  }
.Ltmp0:
0x7: {  	s4 =	sadd.s32 $0x201200, s5;
	s7 =	sand.u32 $0x7C0, s8;
	(pc) =	sbr.rel .LBB2_1-.Ltmp0, $4  }
0x8: {  	s5 =	sadd.s32 $0x201400, s5;
	s11 =	smov.u32 s3;
	p0 =	sne.s32 s7, $0x0  }
0x9: {  	s8 =	sshrl.u32 s8, $0xB;
	s7 =	simm.s32 $0x2;
	s9 =	simm.s32 @!p0 $0x0  }
0xa: {  	[sflag:s7] =	ssyncpa.u1 $0x0;
	p0 =	por $0x0, $0x0;
	s8 =	sadd.s32 s9, s8  }
0xb: {  	vm0 =	vmmov $0xffff;
	[sflag:s10] =	ssyncpa.u1 $0x0;
	s10 =	simm.s32 $0x0;
	s9 =	sadd.s32 $0x1, s8  }
.LBB2_4:
0xc: {  	v2 =	vnsel vm1, $0x0, v2  }
0xd: {  	vm1 =	vgt.s32 v0, $0x0;
	v2 =	vmin.u32 v2, $0xFFF  }
0xe: {  	v0 =	vnsel vm1, $0x0, v0  }
0xf: {  	v0 =	vmin.u32 v0, $0xFFF  }
0x10: {  	[tilespmem:s15], [sflag:$0x1] =	stream.indirect_vreg.gather [hbm4b:s2+s10], $0x1, v1, vm0, $0x4038;
	[tilespmem:$0x100] =	vst v63  }
0x11: {  	(ifvalue) =	ssetifvalue $0x7FFFFFFF  }
0x12: {  	[tilespmem:s16], [sflag:$0x1] =	stream.indirect_vreg.gather [hbm4b:s2+s10], $0x1, v2, vm0, $0x4038;
	[tilespmem:$0x100] =	vst v63  }
0x13: {  	s29 =	sadd.s32 $0x10, s16;
	(ifvalue) =	ssetifvalue $0x7FFFFFFF  }
0x14: {  	[tilespmem:s29], [sflag:$0x1] =	stream.indirect_vreg.gather [hbm4b:s2+s10], $0x1, v0, vm0, $0x4038;
	[tilespmem:$0x100] =	vst v63  }
0x15: {  	_ =	swait.ge [sflag:s6], $0x40  }
0x16: {  	s30 =	sshrl.u32 s13, $0x3;
	[sflag:s6] =	ssyncset.done $0x0  }
0x17: {  	s31 =	sand.u32 $0x7, s13;
	s15 =	sadd.s32 s5, s30;
	[sflag:s6] =	ssyncadd.s32 $0xFFFFFFC0  }
0x18: {  	[hbm4b:s15+s31] =	stream.linear.scatter [tilespmem:s14], [sflag:$0x3], $0x40, $0x38;
	[tilespmem:$0x100] =	vst v63  }
.LBB2_5:
0x19: {  	s15 =	sadd.s32 $0x800, s11  }
0x1a: {  	p2 =	sgt.s32 s15, $0xFFF  }
0x1b: {  	s15 =	smov.u32 @p2 s3;
	p2 =	sne.s32 s12, s9  }
.Ltmp1:
0x1c: {  	p1 =	slt.u32 s12, $0x2;
	(pc) =	sbr.rel @!p2 .LBB2_6-.Ltmp1, $4  }
0x1d: {  	s14 =	simm.s32 @!p1 $0x3  }
0x1e: {  	s16 =	sadd.s32 $0x1, s12;
	_ =	swait.ge @!p1 [sflag:s14], $0x40  }
0x1f: {  	s13 =	smov.u32 s11;
	p0 =	por !p0, !p0;
	[sflag:s14] =	ssyncset.done @!p1 $0x0  }
0x20: {  	s12 =	smov.u32 s16;
	s11 =	smov.u32 s15;
	[sflag:s14] =	ssyncadd.s32 @!p1 $0xFFFFFFC0  }
.LBB2_1:
0x21: {  	p1 =	sge.u32 s12, s8  }
0x22: {  	s14 =	sxor.u32 @!p1 $0xFFFFFFFF, s12  }
0x23: {  	s31 =	sadd.s32 $0xFFFFFFFF, s12;
	s15 =	sshrl.u32 @!p1 s11, $0x3;
	s14 =	sshll.u32 @!p1 s14, $0x6  }
0x24: {  	s16 =	sand.u32 @!p1 $0x7, s11;
	s15 =	sadd.s32 @!p1 s4, s15;
	s14 =	sand.u32 @!p1 $0x40, s14  }
0x25: {  	[tilespmem:s14], [sflag:$0x2] =	stream.linear.gather @!p1 [hbm4b:s15+s16], $0x40, $0x38;
	[tilespmem:$0x100] =	vst v63  }
0x26: {  	p1 =	sge.u32 s31, s8  }
.Ltmp2:
0x27: {  	_ = 	snop;
	(pc) =	sbr.rel @p1 .LBB2_5-.Ltmp2, $1  }
0x28: {  	_ =	sdelay $0x3  }
0x29: {  	s14 =	simm.s32 $0x1  }
0x2a: {  	_ =	swait.ge [sflag:s7], $0x40;
	s14 =	simm.s32 @!p0 $0x0  }
0x2b: {  	[sflag:s7] =	ssyncset.done $0x0;
	s14 =	sshll.u32 s14, $0x6  }
0x2c: {  	[sflag:s7] =	ssyncadd.s32 $0xFFFFFFC0;
	(ifvalue) =	ssetifvalue $0x7FFFFFFF;
	v0 =	vld.msk [tilespmem:s14+$0x0 ss:$0x1], $0xffff;
	_ =	sdelay $0x4  }
0x2d: {  	s15 =	sadd.s32 $0x10, s14;
	vm1 =	vgt.s32 v0, $0x0  }
0x2e: {  	v2 =	vld.msk [tilespmem:s15+$0x0 ss:$0x1], $0xffff;
	v1 =	vnsel vm1, $0x0, v0  }
0x2f: {  	v1 =	vmin.u32 v1, $0xFFF;
	_ =	sdelay $0x1  }
0x30: {  	s16 =	sshll.u32 s12, $0x6;
	s18 =	simm.s32 $0x20  }
0x31: {  	s16 =	sand.u32 $0x40, s16;
	s17 =	sadd.s32 $0x10, s15;
	s15 =	sor.u32 $0x80, s14  }
0x32: {  	s14 =	sor.u32 $0x80, s16;
	s16 =	sadd.s32 $0x10, s15;
	v0 =	vld.msk [tilespmem:s17+$0x0 ss:$0x1], $0xffff;
	vm1 =	vgt.s32 v2, $0x0;
	(ifvalue) =	ssetifvalue $0x7FFFFFFF  }
.LBB2_3:
0x33: {  	[tilespmem:s15], [sflag:$0x1] =	stream.indirect_vreg.gather [hbm4b:s2+s10], $0x1, v1, vm0, $0x4038;
	[tilespmem:$0x100] =	vst v63  }
0x34: {  	s18 =	sadd.s32 $0x10, s18  }
0x35: {  	v2 =	vnsel vm1, $0x0, v2;
	p1 =	slt.u32 s18, $0x30  }
.Ltmp3:
0x36: {  	s15 =	smov.u32 s16;
	v1 =	vmin.u32 v2, $0xFFF;
	(pc) =	sbr.rel @p1 .LBB2_3-.Ltmp3, $3  }
0x37: {  	_ =	sdelay $0x1  }
0x38: {  	s17 =	sadd.s32 $0x10, s17  }
0x39: {  	vm1 =	vgt.s32 v0, $0x0;
	s16 =	sadd.s32 $0x10, s16;
	v2 =	vmov v0;
	(ifvalue) =	ssetifvalue $0x7FFFFFFF;
	v0 =	vld.msk [tilespmem:s17+$0x0 ss:$0x1], $0xffff  }
.Ltmp4:
0x3a: {  	_ = 	snop;
	(pc) =	sbr.rel .LBB2_4-.Ltmp4, $1  }
0x3b: {  	_ =	sdelay $0x3  }
.LBB2_6:
0x3c: {  	_ =	sfence.sel $0x180000  }
0x3d: {  	s2 =	simm.s32 $0x2;
	[bflag:$0x0] =	sbarrier.arrive $0xFFFF  }
0x3e: {  	s30 =	simm.s32 $0x3;
	[sflag:s2] =	ssyncpa.u1 $0x1  }
0x3f: {  	s31 =	simm.s32 $0x1;
	[sflag:s30] =	ssyncpa.u1 $0x1  }
0x40: {  	[sflag:s31] =	ssyncpa.u1 $0x1  }
0x41: {  	p0 =	sne.s32 s1, $0x0;
	_ =	strace $0x9000004A  }
0x42: {  	s0 =	sadd.s32 @!p0 $0x100000, s0;
	[bflag:$0x2] =	sbarrier.arrive $0xFFFF  }
0x43: {  	[sflag:s0] =	ssyncadd.tile.s32 @!p0 $0x1;
	_ =	shalt  }
.Lfunc_end2:
_tile_overlayer_lowered:
.L_overlay_start_2:
0x44: {  	(tag) =	ssettag $0x2  }
0x45: {  	s0 =	rddreg [dreg:$0x0];
	s2 =	stileid.u32  }
0x46: {  	s1 =	rddreg [dreg:$0x1];
	p0 =	sne.s32 s2, $0x0  }
0x47: {  	s3 =	rddreg [dreg:$0x2];
	[bflag:$0x3] =	sbarrier.arrive $0xFFFF;
	s2 =	simm.s32 @!p0 $0x1C01  }
0x48: {  	[timem:s3], [sflag:s2] =	dma.local @!p0 [hbm:s0], s1  }
0x49: {  	s0 =	simm.s32 @!p0 $0x1  }
0x4a: {  	_ =	swait.ge @!p0 [sflag:s0], s1  }
0x4b: {  	s1 =	ssub.s32 @!p0 $0x0, s1;
	[sflag:s0] =	ssyncset.done @!p0 $0x0  }
0x4c: {  	[sflag:s0] =	ssyncadd.s32 @!p0 s1  }
0x4d: {  	[bflag:$0x3] =	sbarrier.arrive $0xFFFF  }
0x4e: {  	_ =	shalt  }

// kernel: gather_offload_async_start
scs
__scs_entry_jumppad:
0x0: {  	(pc) =	sbr.rel $0x88, $3  }
0x1: {  	(tag) =	ssettag $0x0;
	lr =	simm.s32 $0x1  }
0x2: {  	[smem:$0x3F9F] =	sst lr;
	_ =	strace $0xD0000000  }
0x3: {  	_ = 	snop  }
0x4: {  	_ = 	snop  }
0x5: {  	_ = 	snop  }
0x6: {  	_ = 	snop  }
0x7: {  	_ = 	snop  }
__scs_overlays_trampoline_lowered:
0x8: {  	[smem:$0x3FAE] =	sst s0  }
0x9: {  	[smem:$0x3FAF] =	sst s1  }
0xa: {  	[smem:$0x3FB0] =	sst s2  }
0xb: {  	[smem:$0x3FB1] =	sst s3  }
0xc: {  	[smem:$0x3FB2] =	sst s4  }
0xd: {  	[smem:$0x3FB3] =	sst s5  }
0xe: {  	[smem:$0x3FB4] =	sst s6  }
0xf: {  	[smem:$0x3FB5] =	sst s7  }
0x10: {  	[smem:$0x3FB6] =	sst s8  }
0x11: {  	[smem:$0x3FB7] =	sst s9;
	s0 =	simm.s32 @!p0 $0x0  }
0x12: {  	s1 =	sld [smem:$0x3F9D];
	s0 =	simm.s32 @p0 $0x1  }
0x13: {  	[smem:$0x3FB8] =	sst s0;
	s0 =	simm.s32 @!p1 $0x0  }
0x14: {  	s2 =	sld [smem:$0x3F9C];
	s0 =	simm.s32 @p1 $0x1  }
0x15: {  	[smem:$0x3FB9] =	sst s0;
	s0 =	simm.s32 @!p2 $0x0  }
0x16: {  	s3 =	sld [smem:$0x3FDB];
	s0 =	simm.s32 @p2 $0x1  }
0x17: {  	s4 =	simm.s32 $0x1BF5;
	[smem:$0x3FBB] =	sst s0  }
0x18: {  	s0 =	sld [smem:$0x3F9E];
	_ =	swait.ge [sflag:s4], $0x0  }
0x19: {  	s7 =	sld [smem:$0x3F9F]  }
0x1a: {  	s8 =	sadd.s32 $0xFFFFE003, lr  }
0x1b: {  	s9 =	sadd.s32 $0xFFFFFEF7, lr;
	s5 =	simm.s32 $0xFFFFFFFF;
	p2 =	slt.u32 s8, $0xFFFFF086  }
0x1c: {  	p1 =	slt.u32 s9, $0xF7A;
	s5 =	simm.s32 @!p2 $0x0  }
0x1d: {  	s5 =	simm.s32 @p1 $0x1;
	p0 =	seq.s32 s7, s2  }
0x1e: {  	s7 =	smul.u32 @!p0 $0xF7A, s2;
	p2 =	seq.s32 @!p0 s5, $0x0  }
0x1f: {  	s9 =	smul.u32 $0xF7A, s1;
	s8 =	simm.s32 @!p0 $0x1BF5;
	p2 =	por !p2, p0  }
0x20: {  	[sflag:s8] =	ssyncset.s32 @!p0 $0xFFFFF086;
	s6 =	sadd.s32 @!p0 s3, s7;
	s7 =	simm.s32 @!p0 $0x108  }
0x21: {  	s3 =	sadd.s32 s3, s9;
	s6 =	sadd.s32 @!p0 $0x88, s6;
	s7 =	simm.s32 @p2 $0x1082  }
0x22: {  	[simem:s7], [sflag:s8] =	dma.local @!p0 [hbm:s6], $0xF7A  }
0x23: {  	s9 =	sor.u32 $0xD0000000, s2;
	s6 =	simm.s32 $0x108;
	_ =	swait.ge @!p0 [sflag:s8], $0x0  }
0x24: {  	s3 =	sadd.s32 $0x88, s3;
	s6 =	simm.s32 @!p1 $0x1082;
	[sflag:s4] =	ssyncset.s32 $0xFFFFF086  }
0x25: {  	[simem:s6], [sflag:s4] =	dma.local [hbm:s3], $0xF7A  }
0x26: {  	[smem:$0x3F9F] =	sst s1;
	(tag) =	ssettag s2;
	_ =	strace s9  }
0x27: {  	s1 =	sld [smem:$0x3FAF]  }
0x28: {  	s2 =	sld [smem:$0x3FB0]  }
0x29: {  	s4 =	sld [smem:$0x3FB2]  }
0x2a: {  	p0 =	seq.s32 s5, $0x0;
	s5 =	sld [smem:$0x3FB3]  }
0x2b: {  	s6 =	sld [smem:$0x3FB4]  }
0x2c: {  	s7 =	sld [smem:$0x3FB5]  }
0x2d: {  	s3 =	simm.s32 $0x108;
	s8 =	sld [smem:$0x3FB6]  }
0x2e: {  	s3 =	simm.s32 @!p0 $0x1082;
	s9 =	sld [smem:$0x3FB7]  }
0x2f: {  	lr =	sadd.s32 s0, s3;
	s0 =	sld [smem:$0x3FAE]  }
0x30: {  	s3 =	sld [smem:$0x3FB1]  }
0x31: {  	[smem:$0x3FBA] =	sst s10  }
0x32: {  	s10 =	sld [smem:$0x3FB8];
	_ =	sdelay $0x3  }
0x33: {  	p0 =	seq.s32 s10, $0x1;
	s10 =	sld [smem:$0x3FBA];
	_ =	sdelay $0x3  }
0x34: {  	[smem:$0x3FBA] =	sst s10  }
0x35: {  	s10 =	sld [smem:$0x3FB9];
	_ =	sdelay $0x3  }
0x36: {  	p1 =	seq.s32 s10, $0x1;
	s10 =	sld [smem:$0x3FBA];
	_ =	sdelay $0x3  }
0x37: {  	[smem:$0x3FBA] =	sst s10  }
0x38: {  	s10 =	sld [smem:$0x3FBB]  }
0x39: {  	_ = 	snop;
	(pc) =	sbr.ind lr, $3  }
0x3a: {  	_ = 	snop  }
0x3b: {  	_ = 	snop  }
0x3c: {  	p2 =	seq.s32 s10, $0x1;
	s10 =	sld [smem:$0x3FBA]  }
0x3d: {  	_ =	shalt  }
0x3e: {  	_ =	shalt  }
0x3f: {  	_ =	shalt  }
0x40: {  	_ =	shalt  }
0x41: {  	_ =	shalt  }
0x42: {  	_ =	shalt  }
0x43: {  	_ =	shalt  }
0x44: {  	_ =	shalt  }
0x45: {  	_ =	shalt  }
0x46: {  	_ =	shalt  }
0x47: {  	_ =	shalt  }
0x48: {  	_ =	shalt  }
0x49: {  	_ =	shalt  }
0x4a: {  	_ =	shalt  }
0x4b: {  	_ =	shalt  }
0x4c: {  	_ =	shalt  }
0x4d: {  	_ =	shalt  }
0x4e: {  	_ =	shalt  }
0x4f: {  	_ =	shalt  }
0x50: {  	_ =	shalt  }
0x51: {  	_ =	shalt  }
0x52: {  	_ =	shalt  }
0x53: {  	_ =	shalt  }
0x54: {  	_ =	shalt  }
0x55: {  	_ =	shalt  }
0x56: {  	_ =	shalt  }
0x57: {  	_ =	shalt  }
0x58: {  	_ =	shalt  }
0x59: {  	_ =	shalt  }
0x5a: {  	_ =	shalt  }
0x5b: {  	_ =	shalt  }
0x5c: {  	_ =	shalt  }
0x5d: {  	_ =	shalt  }
0x5e: {  	_ =	shalt  }
0x5f: {  	_ =	shalt  }
0x60: {  	_ =	shalt  }
0x61: {  	_ =	shalt  }
0x62: {  	_ =	shalt  }
0x63: {  	_ =	shalt  }
0x64: {  	_ =	shalt  }
0x65: {  	_ =	shalt  }
0x66: {  	_ =	shalt  }
0x67: {  	_ =	shalt  }
0x68: {  	_ =	shalt  }
0x69: {  	_ =	shalt  }
0x6a: {  	_ =	shalt  }
0x6b: {  	_ =	shalt  }
0x6c: {  	_ =	shalt  }
0x6d: {  	_ =	shalt  }
0x6e: {  	_ =	shalt  }
0x6f: {  	_ =	shalt  }
0x70: {  	_ =	shalt  }
0x71: {  	_ =	shalt  }
0x72: {  	_ =	shalt  }
0x73: {  	_ =	shalt  }
0x74: {  	_ =	shalt  }
0x75: {  	_ =	shalt  }
0x76: {  	_ =	shalt  }
0x77: {  	_ =	shalt  }
0x78: {  	_ =	shalt  }
0x79: {  	_ =	shalt  }
0x7a: {  	_ =	shalt  }
0x7b: {  	_ =	shalt  }
0x7c: {  	_ =	shalt  }
0x7d: {  	_ =	shalt  }
0x7e: {  	_ =	shalt  }
0x7f: {  	_ =	shalt  }
0x80: {  	_ =	shalt  }
0x81: {  	_ =	shalt  }
0x82: {  	_ =	shalt  }
0x83: {  	_ =	shalt  }
0x84: {  	_ =	shalt  }
0x85: {  	_ =	shalt  }
0x86: {  	_ =	shalt  }
0x87: {  	_ =	shalt  }
.Lfunc_end0:
.L_simem_size_0:
called_computation_lowered:
.L_overlay_start_0:
0x88: {  	s2 =	sld [smem:$0x3FD9]  }
0x89: {  	s3 =	sld [smem:$0x3FFE];
	_ =	sdelay $0x1  }
0x8a: {  	s1 =	srdreg.scid  }
0x8b: {  	s0 =	sand.u32 $0x1, s1  }
0x8c: {  	s14 =	sshll.u32 s0, $0xA;
	s2 =	sadd.s32 s3, s2  }
0x8d: {  	s2 =	sadd.s32 s2, s14  }
0x8e: {  	[smem:$0x3FC6] =	sst s2  }
0x8f: {  	_ = 	snop  }
0x90: {  	s2 =	sld [smem:$0x3FD0];
	_ =	sdelay $0x2  }
0x91: {  	s15 =	simm.s32 $0xA;
	s4 =	simm.s32 $0x10  }
0x92: {  	[smem:s4], [sflag:s15] =	dma.local [hbm:s2], $0x1  }
0x93: {  	_ =	swait.eq [sflag:s15], $0x1  }
0x94: {  	[sflag:s15] =	ssyncset.done $0x0  }
0x95: {  	[sflag:s15] =	ssyncadd.s32 $0xFFFFFFFF  }
0x96: {  	s16 =	sld [smem:$0x11];
	(tm) =	ssettm $0x1  }
0x97: {  	s17 =	sld [smem:$0x3FFB];
	_ =	sdelay $0x3  }
0x98: {  	_ =	strace s17  }
0x99: {  	s3 =	sld [smem:$0x3FFC];
	_ =	sdelay $0x3  }
0x9a: {  	_ =	strace s3  }
0x9b: {  	s3 =	sld [smem:$0x3FFD];
	_ =	sdelay $0x3  }
0x9c: {  	_ =	strace s3  }
0x9d: {  	_ =	strace $0x8FFFFFFF  }
0x9e: {  	s18 =	sld [smem:$0x3FDB];
	_ =	sdelay $0x1  }
0x9f: {  	s19 =	simm.s32 $_scs_section_size  }
0xa0: {  	s5 =	simm.s32 $_size__tile_overlayer_lowered;
	s6 =	simm.s32 $_tile_overlayer_lowered  }
0xa1: {  	s22 =	simm.s32 $0x1BFF;
	s21 =	sshll.u32 s6, $0x1;
	s3 =	sadd.s32 s19, s18  }
0xa2: {  	s7 =	simm.s32 $0x0;
	s20 =	sshll.u32 s5, $0x1;
	s5 =	sadd.s32 s21, s3  }
0xa3: {  	[timem:s7], [sflag:s22] =	dma.local [hbm:s5], s20  }
0xa4: {  	_ =	swait.ge [sflag:s22], s20  }
0xa5: {  	s4 =	ssub.s32 $0x0, s20;
	[sflag:s22] =	ssyncset.done $0x0  }
0xa6: {  	[sflag:s22] =	ssyncadd.s32 s4;
	_ =	sdelay $0x1  }
0xa7: {  	s23 =	simm.s32 $0x1B8B  }
0xa8: {  	_ =	swait.ge [sflag:s23], $0x1  }
0xa9: {  	[sflag:s23] =	ssyncset.done $0x0  }
0xaa: {  	s25 =	simm.s32 $0x1B8E;
	s24 =	sld [smem:$0x3FFE];
	[sflag:s23] =	ssyncadd.s32 $0xFFFFFFFF  }
0xab: {  	s26 =	simm.s32 $execute0_lowered;
	[smem:$0x3FD2] =	sst s25  }
0xac: {  	s5 =	sshll.u32 s26, $0x1;
	_ =	strace $0x80000046;
	[dreg:$0x1] =	wrdreg $0xFFFFFFFF  }
0xad: {  	s28 =	simm.s32 $_size_execute0_lowered;
	s3 =	sadd.s32 s3, s5;
	[dreg:$0x0] =	wrdreg $0x0  }
0xae: {  	s5 =	sshll.u32 s28, $0x1;
	[dreg:$0x2] =	wrdreg s3  }
0xaf: {  	[dreg:$0x3] =	wrdreg s5  }
0xb0: {  	[dreg:$0x4] =	wrdreg $0xC0  }
0xb1: {  	_ =	task [dreg:s7], $0x5FFFF  }
0xb2: {  	[dreg:$0x1] =	wrdreg $0xFFFFFFFF  }
0xb3: {  	[dreg:$0x0] =	wrdreg $0x60  }
0xb4: {  	[dreg:$0x2] =	wrdreg s24  }
0xb5: {  	[dreg:$0x3] =	wrdreg s16  }
0xb6: {  	[dreg:$0x4] =	wrdreg $0x9  }
0xb7: {  	_ =	task.clear_ibuf [dreg:s7], $0x5FFFF;
	_ =	strace $0x90000046  }
0xb8: {  	s29 =	simm.s32 $0x9;
	_ =	strace $0x80000048  }
0xb9: {  	_ =	swait.ge [sflag:s29], $0x1  }
0xba: {  	[sflag:s29] =	ssyncadd.s32 $0xFFFFFFFF  }
0xbb: {  	_ =	strace $0x90000048  }
0xbc: {  	_ =	sfence  }
0xbd: {  	s30 =	sld [smem:$0x0];
	_ =	sdelay $0x2  }
0xbe: {  	s31 =	sshll.u32 s1, $0xD;
	s1 =	sshrl.u32 s1, $0x2  }
0xbf: {  	s3 =	sand.u32 $0x4000, s31;
	s1 =	sadd.s32 s1, s30  }
0xc0: {  	s0 =	sor.u32 s3, s0;
	s1 =	sshll.u32 s1, $0x11  }
0xc1: {  	s0 =	sor.u32 s1, s0  }
0xc2: {  	s0 =	sadd.s32 $0x8F2B, s0  }
0xc3: {  	[sflag:s0] =	ssyncadd.remote.s32 $0x1  }
0xc4: {  	_ =	sfence.sel $0xFFFF  }
0xc5: {  	[dreg:$0x0] =	wrdreg $0xFFFFFFFF;
	(pc) =	sbr.abs _section_cstart, $3  }
0xc6: {  	[dreg:$0x1] =	wrdreg $0xFFFFFFFF  }
0xc7: {  	_ =	task.clear_ibuf [dreg:s7], $0x2FFFF;
	_ =	strace $0x9FFFFFFF  }
0xc8: {  	(tm) =	ssettm $0x7FFFFFFF  }
0xc9: {  	_ =	shalt  }
tec
execute0_lowered:
.L_overlay_start_1:
0x0: {  	(tag) =	ssettag $0x1  }
0x1: {  	s0 =	srdreg.scid  }
0x2: {  	s1 =	sshll.u32 s0, $0x4  }
0x3: {  	s0 =	stileid.u32;
	s1 =	sand.u32 $0x10, s1  }
0x4: {  	s2 =	sor.u32 s0, s1  }
0x5: {  	s1 =	smul.u32 $0xA, s2  }
0x6: {  	s3 =	smin.u32 s2, $0x15  }
0x7: {  	s1 =	sadd.s32 s3, s1  }
0x8: {  	p0 =	slt.u32 s2, $0x15;
	s2 =	simm.s32 $0x420;
	s1 =	smul.u32 $0x60, s1  }
0x9: {  	s2 =	simm.s32 @!p0 $0x3C0  }
0xa: {  	s2 =	sadd.s32 s2, s1  }
0xb: {  	s3 =	smin.u32 s2, $0x7FE0  }
0xc: {  	s7 =	ssub.s32 s3, s1  }
0xd: {  	p0 =	sgt.s32 s7, $0x0  }
0xe: {  	s7 =	simm.s32 @!p0 $0x0  }
0xf: {  	s9 =	rddreg [dreg:$0x0];
	s31 =	smul.u32 $0xAAAB, s7  }
0x10: {  	s4 =	rddreg [dreg:$0x1];
	s6 =	simm.s32 $0x1  }
0x11: {  	s11 =	simm.s32 $0x3;
	s13 =	simm.s32 $0x0;
	s8 =	sshrl.u32 s31, $0x16  }
0x12: {  	s12 =	simm.s32 $0x0;
	s5 =	sadd.s32 $0x81000, s9;
	s10 =	smul.u32 $0x60, s8  }
.Ltmp0:
0x13: {  	s9 =	sadd.s32 $0x201400, s9;
	s2 =	rddreg [dreg:$0x2];
	(pc) =	sbr.rel .LBB2_1-.Ltmp0, $4  }
0x14: {  	_ =	strace $0x80000047;
	p0 =	sne.s32 s7, s10;
	s10 =	simm.s32 $0x1  }
0x15: {  	[sflag:s6] =	ssyncpa.u1 $0x0;
	s7 =	simm.s32 $0x2;
	s10 =	simm.s32 @!p0 $0x0  }
0x16: {  	[sflag:s7] =	ssyncpa.u1 $0x0;
	p0 =	por $0x0, $0x0;
	s8 =	sadd.s32 s8, s10  }
0x17: {  	vm0 =	vmmov $0xffff;
	[sflag:s11] =	ssyncpa.u1 $0x0;
	s11 =	smov.u32 s1;
	s10 =	sadd.s32 $0x1, s8  }
.LBB2_6:
0x18: {  	[hbm:s17] =	stream.linear.scatter [tilespmem:s14], [sflag:$0x3], $0x200, $0x38;
	[tilespmem:$0x180C0] =	vst v63  }
.LBB2_7:
0x19: {  	s13 =	sadd.s32 $0x60, s11  }
0x1a: {  	s15 =	smov.u32 s1;
	p2 =	slt.s32 s13, s3  }
0x1b: {  	s15 =	smov.u32 @p2 s13;
	p2 =	sne.s32 s12, s10  }
.Ltmp1:
0x1c: {  	p1 =	slt.u32 s12, $0x2;
	(pc) =	sbr.rel @!p2 .LBB2_8-.Ltmp1, $4  }
0x1d: {  	s14 =	simm.s32 @!p1 $0x3  }
0x1e: {  	s16 =	sadd.s32 $0x1, s12;
	_ =	swait.ge @!p1 [sflag:s14], $0xC000  }
0x1f: {  	p0 =	por !p0, !p0;
	s13 =	smov.u32 s11;
	[sflag:s14] =	ssyncset.done @!p1 $0x0  }
0x20: {  	s12 =	smov.u32 s16;
	s11 =	smov.u32 s15;
	[sflag:s14] =	ssyncadd.s32 @!p1 $0xFFFF4000  }
.LBB2_1:
0x21: {  	p1 =	sge.u32 s12, s8  }
0x22: {  	s14 =	sxor.u32 @!p1 $0xFFFFFFFF, s12  }
0x23: {  	s14 =	sand.u32 @!p1 $0x1, s14  }
0x24: {  	s14 =	smul.u32 @!p1 $0x180, s14  }
0x25: {  	s31 =	sadd.s32 $0xFFFFFFFF, s12;
	s15 =	sshrl.u32 @!p1 s11, $0x3  }
0x26: {  	s16 =	sand.u32 @!p1 $0x7, s11;
	s15 =	sadd.s32 @!p1 s4, s15;
	s14 =	sshrl.u32 @!p1 s14, $0x2  }
0x27: {  	[tilespmem:s14], [sflag:$0x2] =	stream.linear.gather @!p1 [hbm4b:s15+s16], $0x60, $0x38;
	[tilespmem:$0x180C0] =	vst v63  }
0x28: {  	p1 =	sge.u32 s31, s8  }
.Ltmp2:
0x29: {  	_ = 	snop;
	(pc) =	sbr.rel @p1 .LBB2_7-.Ltmp2, $1  }
0x2a: {  	_ =	sdelay $0x3  }
0x2b: {  	s14 =	simm.s32 $0x1  }
0x2c: {  	s14 =	simm.s32 @!p0 $0x0  }
0x2d: {  	s15 =	smul.u32 $0x180, s14  }
0x2e: {  	_ =	swait.ge [sflag:s7], $0x60  }
0x2f: {  	[sflag:s7] =	ssyncset.done $0x0;
	s15 =	sshrl.u32 s15, $0x2  }
0x30: {  	[sflag:s7] =	ssyncadd.s32 $0xFFFFFFA0;
	s16 =	sadd.s32 $0x0, s15  }
0x31: {  	v0 =	vld.msk [tilespmem:s16+$0x0 ss:$0x1], $0xffff;
	_ =	sdelay $0x4  }
0x32: {  	vm1 =	vgt.s32 v0, $0x0  }
0x33: {  	v0 =	vnsel vm1, $0x0, v0  }
0x34: {  	v0 =	vmin.u32 v0, $0x3FFF  }
0x35: {  	v0 =	vshll.u32 v0, $0x6  }
0x36: {  	s14 =	smul.u32 $0x30000, s14;
	_ =	sdelay $0x1  }
0x37: {  	s14 =	sshrl.u32 s14, $0x2  }
0x38: {  	s14 =	sor.u32 $0xC0, s14;
	s31 =	sadd.s32 $0x10, s15  }
0x39: {  	[tilespmem:s14], [sflag:$0x1] =	stream.indirect_vreg.gather [hbm:s5], $0x200, v0, vm0, $0x38;
	[tilespmem:$0x180C0] =	vst v63  }
0x3a: {  	s17 =	simm.s32 $0x80;
	s16 =	smov.u32 s14;
	v0 =	vld.msk [tilespmem:s31+$0x0 ss:$0x1], $0xffff  }
.LBB2_3:
0x3b: {  	p1 =	sne.s32 s17, $0x140;
	_ =	sdelay $0x4  }
0x3c: {  	vm1 =	vgt.s32 v0, $0x0  }
0x3d: {  	v0 =	vnsel vm1, $0x0, v0  }
0x3e: {  	v0 =	vmin.u32 v0, $0x3FFF  }
0x3f: {  	v0 =	vshll.u32 v0, $0x6;
	_ =	sdelay $0x1  }
.Ltmp3:
0x40: {  	(pc) =	sbr.rel @p1 .LBB2_3-.Ltmp3, $4  }
0x41: {  	s18 =	sshra.s32 s17, $0x2  }
0x42: {  	s16 =	sadd.s32 $0x2000, s16;
	s18 =	sadd.s32 s18, s15  }
0x43: {  	[tilespmem:s16], [sflag:$0x1] =	stream.indirect_vreg.gather [hbm:s5], $0x200, v0, vm0, $0x38;
	[tilespmem:$0x180C0] =	vst v63  }
0x44: {  	s17 =	sadd.s32 $0x40, s17;
	v0 =	vld.msk [tilespmem:s18+$0x0 ss:$0x1], $0xffff  }
0x45: {  	_ =	sdelay $0x3  }
0x46: {  	vm1 =	vgt.s32 v0, $0x0  }
0x47: {  	v0 =	vnsel vm1, $0x0, v0  }
0x48: {  	v0 =	vmin.u32 v0, $0x3FFF  }
0x49: {  	v0 =	vshll.u32 v0, $0x6;
	_ =	sdelay $0x3  }
0x4a: {  	s15 =	sadd.s32 $0x2000, s16  }
0x4b: {  	[tilespmem:s15], [sflag:$0x1] =	stream.indirect_vreg.gather [hbm:s5], $0x200, v0, vm0, $0x38;
	[tilespmem:$0x180C0] =	vst v63  }
0x4c: {  	s13 =	sshll.u32 s13, $0x6;
	_ =	swait.ge [sflag:s6], $0xC000  }
0x4d: {  	s16 =	sadd.s32 $0x200, s14;
	s13 =	sadd.s32 s13, s9;
	[sflag:s6] =	ssyncset.done $0x0  }
0x4e: {  	s17 =	sadd.s32 $0x0, s13;
	s15 =	simm.s32 $0x40;
	[sflag:s6] =	ssyncadd.s32 $0xFFFF4000  }
.LBB2_5:
0x4f: {  	[hbm:s17] =	stream.linear.scatter [tilespmem:s14], [sflag:$0x3], $0x200, $0x38;
	[tilespmem:$0x180C0] =	vst v63  }
0x50: {  	s17 =	smov.u32 s15;
	s14 =	smov.u32 s16;
	p1 =	sne.s32 s15, $0x17C0  }
.Ltmp4:
0x51: {  	s15 =	sadd.s32 $0x40, s15;
	(pc) =	sbr.rel @p1 .LBB2_5-.Ltmp4, $2  }
0x52: {  	_ =	sdelay $0x2  }
0x53: {  	s16 =	sadd.s32 $0x200, s16;
	s17 =	sadd.s32 s17, s13  }
.Ltmp5:
0x54: {  	_ = 	snop;
	(pc) =	sbr.rel .LBB2_6-.Ltmp5, $1  }
0x55: {  	_ =	sdelay $0x3  }
.LBB2_8:
0x56: {  	_ =	sfence.sel $0x180000  }
0x57: {  	s1 =	simm.s32 $0x2;
	[bflag:$0x0] =	sbarrier.arrive $0xFFFF  }
0x58: {  	s30 =	simm.s32 $0x3;
	[sflag:s1] =	ssyncpa.u1 $0x1  }
0x59: {  	s31 =	simm.s32 $0x1;
	[sflag:s30] =	ssyncpa.u1 $0x1  }
0x5a: {  	[sflag:s31] =	ssyncpa.u1 $0x1  }
0x5b: {  	p0 =	sne.s32 s0, $0x0;
	_ =	strace $0x90000047  }
0x5c: {  	s0 =	sadd.s32 @!p0 $0x100000, s2;
	[bflag:$0x2] =	sbarrier.arrive $0xFFFF  }
0x5d: {  	[sflag:s0] =	ssyncadd.tile.s32 @!p0 $0x1;
	_ =	shalt  }
.Lfunc_end2:
_tile_overlayer_lowered:
.L_overlay_start_2:
0x5e: {  	(tag) =	ssettag $0x2  }
0x5f: {  	s0 =	rddreg [dreg:$0x0];
	s2 =	stileid.u32  }
0x60: {  	s1 =	rddreg [dreg:$0x1];
	p0 =	sne.s32 s2, $0x0  }
0x61: {  	s3 =	rddreg [dreg:$0x2];
	[bflag:$0x3] =	sbarrier.arrive $0xFFFF;
	s2 =	simm.s32 @!p0 $0x1C01  }
0x62: {  	[timem:s3], [sflag:s2] =	dma.local @!p0 [hbm:s0], s1  }
0x63: {  	s0 =	simm.s32 @!p0 $0x1  }
0x64: {  	_ =	swait.ge @!p0 [sflag:s0], s1  }
0x65: {  	s1 =	ssub.s32 @!p0 $0x0, s1;
	[sflag:s0] =	ssyncset.done @!p0 $0x0  }
0x66: {  	[sflag:s0] =	ssyncadd.s32 @!p0 s1  }
0x67: {  	[bflag:$0x3] =	sbarrier.arrive $0xFFFF  }
0x68: {  	_ =	shalt  }

// kernel: kernel.5.cloned.1.call-start
scs
__scs_entry_jumppad:
0x0: {  	(pc) =	sbr.rel $0x88, $3  }
0x1: {  	(tag) =	ssettag $0x0;
	lr =	simm.s32 $0x1  }
0x2: {  	[smem:$0x3F9F] =	sst lr;
	_ =	strace $0xD0000000  }
0x3: {  	_ = 	snop  }
0x4: {  	_ = 	snop  }
0x5: {  	_ = 	snop  }
0x6: {  	_ = 	snop  }
0x7: {  	_ = 	snop  }
__scs_overlays_trampoline_lowered:
0x8: {  	[smem:$0x3FAE] =	sst s0  }
0x9: {  	[smem:$0x3FAF] =	sst s1  }
0xa: {  	[smem:$0x3FB0] =	sst s2  }
0xb: {  	[smem:$0x3FB1] =	sst s3  }
0xc: {  	[smem:$0x3FB2] =	sst s4  }
0xd: {  	[smem:$0x3FB3] =	sst s5  }
0xe: {  	[smem:$0x3FB4] =	sst s6  }
0xf: {  	[smem:$0x3FB5] =	sst s7  }
0x10: {  	[smem:$0x3FB6] =	sst s8  }
0x11: {  	[smem:$0x3FB7] =	sst s9;
	s0 =	simm.s32 @!p0 $0x0  }
0x12: {  	s1 =	sld [smem:$0x3F9D];
	s0 =	simm.s32 @p0 $0x1  }
0x13: {  	[smem:$0x3FB8] =	sst s0;
	s0 =	simm.s32 @!p1 $0x0  }
0x14: {  	s2 =	sld [smem:$0x3F9C];
	s0 =	simm.s32 @p1 $0x1  }
0x15: {  	[smem:$0x3FB9] =	sst s0;
	s0 =	simm.s32 @!p2 $0x0  }
0x16: {  	s3 =	sld [smem:$0x3FDB];
	s0 =	simm.s32 @p2 $0x1  }
0x17: {  	s4 =	simm.s32 $0x1BF5;
	[smem:$0x3FBB] =	sst s0  }
0x18: {  	s0 =	sld [smem:$0x3F9E];
	_ =	swait.ge [sflag:s4], $0x0  }
0x19: {  	s7 =	sld [smem:$0x3F9F]  }
0x1a: {  	s8 =	sadd.s32 $0xFFFFE003, lr  }
0x1b: {  	s9 =	sadd.s32 $0xFFFFFEF7, lr;
	s5 =	simm.s32 $0xFFFFFFFF;
	p2 =	slt.u32 s8, $0xFFFFF086  }
0x1c: {  	p1 =	slt.u32 s9, $0xF7A;
	s5 =	simm.s32 @!p2 $0x0  }
0x1d: {  	s5 =	simm.s32 @p1 $0x1;
	p0 =	seq.s32 s7, s2  }
0x1e: {  	s7 =	smul.u32 @!p0 $0xF7A, s2;
	p2 =	seq.s32 @!p0 s5, $0x0  }
0x1f: {  	s9 =	smul.u32 $0xF7A, s1;
	s8 =	simm.s32 @!p0 $0x1BF5;
	p2 =	por !p2, p0  }
0x20: {  	[sflag:s8] =	ssyncset.s32 @!p0 $0xFFFFF086;
	s6 =	sadd.s32 @!p0 s3, s7;
	s7 =	simm.s32 @!p0 $0x108  }
0x21: {  	s3 =	sadd.s32 s3, s9;
	s6 =	sadd.s32 @!p0 $0x88, s6;
	s7 =	simm.s32 @p2 $0x1082  }
0x22: {  	[simem:s7], [sflag:s8] =	dma.local @!p0 [hbm:s6], $0xF7A  }
0x23: {  	s9 =	sor.u32 $0xD0000000, s2;
	s6 =	simm.s32 $0x108;
	_ =	swait.ge @!p0 [sflag:s8], $0x0  }
0x24: {  	s3 =	sadd.s32 $0x88, s3;
	s6 =	simm.s32 @!p1 $0x1082;
	[sflag:s4] =	ssyncset.s32 $0xFFFFF086  }
0x25: {  	[simem:s6], [sflag:s4] =	dma.local [hbm:s3], $0xF7A  }
0x26: {  	[smem:$0x3F9F] =	sst s1;
	(tag) =	ssettag s2;
	_ =	strace s9  }
0x27: {  	s1 =	sld [smem:$0x3FAF]  }
0x28: {  	s2 =	sld [smem:$0x3FB0]  }
0x29: {  	s4 =	sld [smem:$0x3FB2]  }
0x2a: {  	p0 =	seq.s32 s5, $0x0;
	s5 =	sld [smem:$0x3FB3]  }
0x2b: {  	s6 =	sld [smem:$0x3FB4]  }
0x2c: {  	s7 =	sld [smem:$0x3FB5]  }
0x2d: {  	s3 =	simm.s32 $0x108;
	s8 =	sld [smem:$0x3FB6]  }
0x2e: {  	s3 =	simm.s32 @!p0 $0x1082;
	s9 =	sld [smem:$0x3FB7]  }
0x2f: {  	lr =	sadd.s32 s0, s3;
	s0 =	sld [smem:$0x3FAE]  }
0x30: {  	s3 =	sld [smem:$0x3FB1]  }
0x31: {  	[smem:$0x3FBA] =	sst s10  }
0x32: {  	s10 =	sld [smem:$0x3FB8];
	_ =	sdelay $0x3  }
0x33: {  	p0 =	seq.s32 s10, $0x1;
	s10 =	sld [smem:$0x3FBA];
	_ =	sdelay $0x3  }
0x34: {  	[smem:$0x3FBA] =	sst s10  }
0x35: {  	s10 =	sld [smem:$0x3FB9];
	_ =	sdelay $0x3  }
0x36: {  	p1 =	seq.s32 s10, $0x1;
	s10 =	sld [smem:$0x3FBA];
	_ =	sdelay $0x3  }
0x37: {  	[smem:$0x3FBA] =	sst s10  }
0x38: {  	s10 =	sld [smem:$0x3FBB]  }
0x39: {  	_ = 	snop;
	(pc) =	sbr.ind lr, $3  }
0x3a: {  	_ = 	snop  }
0x3b: {  	_ = 	snop  }
0x3c: {  	p2 =	seq.s32 s10, $0x1;
	s10 =	sld [smem:$0x3FBA]  }
0x3d: {  	_ =	shalt  }
0x3e: {  	_ =	shalt  }
0x3f: {  	_ =	shalt  }
0x40: {  	_ =	shalt  }
0x41: {  	_ =	shalt  }
0x42: {  	_ =	shalt  }
0x43: {  	_ =	shalt  }
0x44: {  	_ =	shalt  }
0x45: {  	_ =	shalt  }
0x46: {  	_ =	shalt  }
0x47: {  	_ =	shalt  }
0x48: {  	_ =	shalt  }
0x49: {  	_ =	shalt  }
0x4a: {  	_ =	shalt  }
0x4b: {  	_ =	shalt  }
0x4c: {  	_ =	shalt  }
0x4d: {  	_ =	shalt  }
0x4e: {  	_ =	shalt  }
0x4f: {  	_ =	shalt  }
0x50: {  	_ =	shalt  }
0x51: {  	_ =	shalt  }
0x52: {  	_ =	shalt  }
0x53: {  	_ =	shalt  }
0x54: {  	_ =	shalt  }
0x55: {  	_ =	shalt  }
0x56: {  	_ =	shalt  }
0x57: {  	_ =	shalt  }
0x58: {  	_ =	shalt  }
0x59: {  	_ =	shalt  }
0x5a: {  	_ =	shalt  }
0x5b: {  	_ =	shalt  }
0x5c: {  	_ =	shalt  }
0x5d: {  	_ =	shalt  }
0x5e: {  	_ =	shalt  }
0x5f: {  	_ =	shalt  }
0x60: {  	_ =	shalt  }
0x61: {  	_ =	shalt  }
0x62: {  	_ =	shalt  }
0x63: {  	_ =	shalt  }
0x64: {  	_ =	shalt  }
0x65: {  	_ =	shalt  }
0x66: {  	_ =	shalt  }
0x67: {  	_ =	shalt  }
0x68: {  	_ =	shalt  }
0x69: {  	_ =	shalt  }
0x6a: {  	_ =	shalt  }
0x6b: {  	_ =	shalt  }
0x6c: {  	_ =	shalt  }
0x6d: {  	_ =	shalt  }
0x6e: {  	_ =	shalt  }
0x6f: {  	_ =	shalt  }
0x70: {  	_ =	shalt  }
0x71: {  	_ =	shalt  }
0x72: {  	_ =	shalt  }
0x73: {  	_ =	shalt  }
0x74: {  	_ =	shalt  }
0x75: {  	_ =	shalt  }
0x76: {  	_ =	shalt  }
0x77: {  	_ =	shalt  }
0x78: {  	_ =	shalt  }
0x79: {  	_ =	shalt  }
0x7a: {  	_ =	shalt  }
0x7b: {  	_ =	shalt  }
0x7c: {  	_ =	shalt  }
0x7d: {  	_ =	shalt  }
0x7e: {  	_ =	shalt  }
0x7f: {  	_ =	shalt  }
0x80: {  	_ =	shalt  }
0x81: {  	_ =	shalt  }
0x82: {  	_ =	shalt  }
0x83: {  	_ =	shalt  }
0x84: {  	_ =	shalt  }
0x85: {  	_ =	shalt  }
0x86: {  	_ =	shalt  }
0x87: {  	_ =	shalt  }
.Lfunc_end0:
.L_simem_size_0:
called_computation.2_lowered:
.L_overlay_start_0:
0x88: {  	s2 =	sld [smem:$0x3FD9]  }
0x89: {  	s3 =	sld [smem:$0x3FFE];
	_ =	sdelay $0x1  }
0x8a: {  	s1 =	srdreg.scid  }
0x8b: {  	s0 =	sand.u32 $0x1, s1  }
0x8c: {  	s14 =	sshll.u32 s0, $0xA;
	s2 =	sadd.s32 s3, s2  }
0x8d: {  	s2 =	sadd.s32 s2, s14  }
0x8e: {  	[smem:$0x3FC6] =	sst s2  }
0x8f: {  	_ = 	snop  }
0x90: {  	s2 =	sld [smem:$0x3FD0];
	_ =	sdelay $0x2  }
0x91: {  	s15 =	simm.s32 $0xA;
	s4 =	simm.s32 $0x10  }
0x92: {  	[smem:s4], [sflag:s15] =	dma.local [hbm:s2], $0x1  }
0x93: {  	_ =	swait.eq [sflag:s15], $0x1  }
0x94: {  	[sflag:s15] =	ssyncset.done $0x0  }
0x95: {  	[sflag:s15] =	ssyncadd.s32 $0xFFFFFFFF  }
0x96: {  	s16 =	sld [smem:$0x11];
	(tm) =	ssettm $0x1  }
0x97: {  	s17 =	sld [smem:$0x3FFB];
	_ =	sdelay $0x3  }
0x98: {  	_ =	strace s17  }
0x99: {  	s3 =	sld [smem:$0x3FFC];
	_ =	sdelay $0x3  }
0x9a: {  	_ =	strace s3  }
0x9b: {  	s3 =	sld [smem:$0x3FFD];
	_ =	sdelay $0x3  }
0x9c: {  	_ =	strace s3  }
0x9d: {  	_ =	strace $0x8FFFFFFF  }
0x9e: {  	s18 =	sld [smem:$0x3FDB];
	_ =	sdelay $0x1  }
0x9f: {  	s19 =	simm.s32 $_scs_section_size  }
0xa0: {  	s5 =	simm.s32 $_size__tile_overlayer_lowered;
	s6 =	simm.s32 $_tile_overlayer_lowered  }
0xa1: {  	s22 =	simm.s32 $0x1BFF;
	s21 =	sshll.u32 s6, $0x1;
	s3 =	sadd.s32 s19, s18  }
0xa2: {  	s7 =	simm.s32 $0x0;
	s20 =	sshll.u32 s5, $0x1;
	s5 =	sadd.s32 s21, s3  }
0xa3: {  	[timem:s7], [sflag:s22] =	dma.local [hbm:s5], s20  }
0xa4: {  	_ =	swait.ge [sflag:s22], s20  }
0xa5: {  	s4 =	ssub.s32 $0x0, s20;
	[sflag:s22] =	ssyncset.done $0x0  }
0xa6: {  	[sflag:s22] =	ssyncadd.s32 s4;
	_ =	sdelay $0x1  }
0xa7: {  	s23 =	simm.s32 $0x1B8B  }
0xa8: {  	_ =	swait.ge [sflag:s23], $0x1  }
0xa9: {  	[sflag:s23] =	ssyncset.done $0x0  }
0xaa: {  	s25 =	simm.s32 $0x1B8E;
	s24 =	sld [smem:$0x3FFE];
	[sflag:s23] =	ssyncadd.s32 $0xFFFFFFFF  }
0xab: {  	s26 =	simm.s32 $execute0_lowered;
	[smem:$0x3FD2] =	sst s25  }
0xac: {  	s5 =	sshll.u32 s26, $0x1;
	_ =	strace $0x8000004C;
	[dreg:$0x1] =	wrdreg $0xFFFFFFFF  }
0xad: {  	s28 =	simm.s32 $_size_execute0_lowered;
	s3 =	sadd.s32 s3, s5;
	[dreg:$0x0] =	wrdreg $0x0  }
0xae: {  	s5 =	sshll.u32 s28, $0x1;
	[dreg:$0x2] =	wrdreg s3  }
0xaf: {  	[dreg:$0x3] =	wrdreg s5  }
0xb0: {  	[dreg:$0x4] =	wrdreg $0xC0  }
0xb1: {  	_ =	task [dreg:s7], $0x5FFFF  }
0xb2: {  	[dreg:$0x1] =	wrdreg $0xFFFFFFFF  }
0xb3: {  	[dreg:$0x0] =	wrdreg $0x60  }
0xb4: {  	[dreg:$0x2] =	wrdreg s24  }
0xb5: {  	[dreg:$0x3] =	wrdreg s16  }
0xb6: {  	[dreg:$0x4] =	wrdreg $0x9  }
0xb7: {  	_ =	task.clear_ibuf [dreg:s7], $0x5FFFF;
	_ =	strace $0x9000004C  }
0xb8: {  	s29 =	simm.s32 $0x9;
	_ =	strace $0x8000004E  }
0xb9: {  	_ =	swait.ge [sflag:s29], $0x1  }
0xba: {  	[sflag:s29] =	ssyncadd.s32 $0xFFFFFFFF  }
0xbb: {  	_ =	strace $0x9000004E  }
0xbc: {  	_ =	sfence  }
0xbd: {  	s30 =	sld [smem:$0x0];
	_ =	sdelay $0x2  }
0xbe: {  	s31 =	sshll.u32 s1, $0xD;
	s1 =	sshrl.u32 s1, $0x2  }
0xbf: {  	s3 =	sand.u32 $0x4000, s31;
	s1 =	sadd.s32 s1, s30  }
0xc0: {  	s0 =	sor.u32 s3, s0;
	s1 =	sshll.u32 s1, $0x11  }
0xc1: {  	s0 =	sor.u32 s1, s0  }
0xc2: {  	s0 =	sadd.s32 $0x8F2B, s0  }
0xc3: {  	[sflag:s0] =	ssyncadd.remote.s32 $0x1  }
0xc4: {  	_ =	sfence.sel $0xFFFF  }
0xc5: {  	[dreg:$0x0] =	wrdreg $0xFFFFFFFF;
	(pc) =	sbr.abs _section_cstart, $3  }
0xc6: {  	[dreg:$0x1] =	wrdreg $0xFFFFFFFF  }
0xc7: {  	_ =	task.clear_ibuf [dreg:s7], $0x2FFFF;
	_ =	strace $0x9FFFFFFF  }
0xc8: {  	(tm) =	ssettm $0x7FFFFFFF  }
0xc9: {  	_ =	shalt  }
tec
execute0_lowered:
.L_overlay_start_1:
0x0: {  	(tag) =	ssettag $0x1  }
0x1: {  	s0 =	rddreg [dreg:$0x0]  }
0x2: {  	s1 =	rddreg [dreg:$0x1]  }
0x3: {  	s2 =	srdreg.scid;
	s4 =	stileid.u32;
	s18 =	simm.s32 $0x1  }
0x4: {  	s20 =	simm.s32 $0x880;
	s21 =	simm.s32 $0x1080;
	s28 =	simm.s32 $0x4080  }
0x5: {  	s29 =	simm.s32 $0x4880;
	s30 =	simm.s32 $0x5080;
	s31 =	simm.s32 $0x5880  }
0x6: {  	s11 =	simm.s32 $0x7880;
	s12 =	simm.s32 $0x8080;
	s13 =	simm.s32 $0x8880  }
0x7: {  	s14 =	simm.s32 $0x9080;
	s15 =	simm.s32 $0x9880;
	s16 =	simm.s32 $0xA080  }
0x8: {  	s17 =	simm.s32 $0xA880;
	s3 =	sand.u32 $0x1, s2;
	s2 =	simm.s32 $0x0  }
0x9: {  	s4 =	sshll.u32 s4, $0x8;
	s6 =	sadd.s32 $0x201400, s0;
	s5 =	sshll.u32 s3, $0x7  }
0xa: {  	[smem:$0x7FF] =	sst s2;
	s22 =	ssub.s32 $0x2, s3;
	s3 =	sadd.s32 $0x400C00, s0  }
0xb: {  	s5 =	sor.u32 s5, s4;
	_ =	strace $0x8000004D;
	s7 =	sshrl.u32 s22, $0x1  }
0xc: {  	s4 =	sadd.s32 $0x400D00, s0;
	s23 =	sshrl.u32 s5, $0x3;
	s7 =	ssub.s32 s22, s7  }
0xd: {  	s24 =	sshll.u32 s5, $0x7;
	s9 =	sor.u32 $0x40, s5;
	s5 =	sadd.s32 $0x400E00, s0  }
0xe: {  	s22 =	simm.s32 $0x1880;
	s8 =	sadd.s32 s6, s23;
	s10 =	sshrl.u32 s9, $0x3  }
0xf: {  	s9 =	sshll.u32 s9, $0x7;
	s7 =	smax.u32 s7, $0x1;
	s23 =	simm.s32 $0x2080  }
0x10: {  	[dreg:$0x3] =	wrdreg s8;
	s8 =	sadd.s32 s1, s24;
	s25 =	sadd.s32 s6, s10  }
0x11: {  	s6 =	sadd.s32 $0x400F00, s0;
	s26 =	sadd.s32 s1, s9;
	[dreg:$0x4] =	wrdreg s8  }
0x12: {  	v2 =	vlaneseq.u32;
	s0 =	simm.s32 $0x80;
	s24 =	simm.s32 $0x2880;
	[dreg:$0x5] =	wrdreg s25  }
0x13: {  	vm0 =	vmmov $0xffff;
	v1 =	vshrl.u32 v2, $0x3;
	s10 =	simm.s32 $0x7080;
	s9 =	simm.s32 $0xB080;
	[dreg:$0x6] =	wrdreg s26  }
0x14: {  	v0 =	vand.u32 $0x7, v2;
	v2 =	vor.u32 $0x8, v2;
	v1 =	vmul.u32 $0x8, v1;
	s8 =	simm.s32 $0x2;
	s25 =	simm.s32 $0x3080;
	s26 =	simm.s32 $0x3880  }
.LBB2_1:
0x15: {  	s19 =	rddreg [dreg:$0x3]  }
0x16: {  	[tilespmem:s2], [sflag:$0x2] =	stream.linear.gather [hbm4b:s19+s2], $0x40, $0x38;
	[tilespmem:$0x10080] =	vst v63  }
0x17: {  	_ =	swait.ge [sflag:s8], $0x40  }
0x18: {  	[sflag:s8] =	ssyncset.done $0x0  }
0x19: {  	[sflag:s8] =	ssyncadd.s32 $0xFFFFFFC0  }
0x1a: {  	v3 =	vld [tilespmem:$0x0];
	_ =	sdelay $0x4  }
0x1b: {  	v4 =	vshll.u32 v3, $0x3  }
0x1c: {  	v3 =	vand.u32 $0x7, v3;
	v4 =	vand.u32 $0xFFFFFFC0, v4  }
0x1d: {  	v3 =	vor.u32 v3, v4  }
0x1e: {  	v4 =	vperm.xlane v3, v0;
	_ =	sdelay $0x1  }
0x1f: {  	v4 =	vadd.s32 v1, v4;
	_ =	sdelay $0x4  }
0x20: {  	[tilespmem:s0], [sflag:$0x1] =	stream.indirect_vreg.gather [hbm4b:s3+s2], $0x80, v4, vm0, $0xb8;
	[tilespmem:$0x10080] =	vst v63  }
0x21: {  	v3 =	vperm.xlane v3, v2  }
0x22: {  	[tilespmem:s20], [sflag:$0x1] =	stream.indirect_vreg.gather [hbm4b:s4+s2], $0x80, v4, vm0, $0xb8;
	[tilespmem:$0x10080] =	vst v63  }
0x23: {  	v3 =	vadd.s32 v1, v3  }
0x24: {  	[tilespmem:s21], [sflag:$0x1] =	stream.indirect_vreg.gather [hbm4b:s5+s2], $0x80, v4, vm0, $0xb8;
	[tilespmem:$0x10080] =	vst v63  }
0x25: {  	_ = 	snop  }
0x26: {  	[tilespmem:s22], [sflag:$0x1] =	stream.indirect_vreg.gather [hbm4b:s6+s2], $0x80, v4, vm0, $0xb8;
	[tilespmem:$0x10080] =	vst v63  }
0x27: {  	_ = 	snop  }
0x28: {  	[tilespmem:s23], [sflag:$0x1] =	stream.indirect_vreg.gather [hbm4b:s3+s2], $0x80, v3, vm0, $0xb8;
	[tilespmem:$0x10080] =	vst v63  }
0x29: {  	_ = 	snop  }
0x2a: {  	[tilespmem:s24], [sflag:$0x1] =	stream.indirect_vreg.gather [hbm4b:s4+s2], $0x80, v3, vm0, $0xb8;
	[tilespmem:$0x10080] =	vst v63  }
0x2b: {  	_ = 	snop  }
0x2c: {  	[tilespmem:s25], [sflag:$0x1] =	stream.indirect_vreg.gather [hbm4b:s5+s2], $0x80, v3, vm0, $0xb8;
	[tilespmem:$0x10080] =	vst v63  }
0x2d: {  	_ = 	snop  }
0x2e: {  	[tilespmem:s26], [sflag:$0x1] =	stream.indirect_vreg.gather [hbm4b:s6+s2], $0x80, v3, vm0, $0xb8;
	[tilespmem:$0x10080] =	vst v63  }
0x2f: {  	v3 =	vld [tilespmem:$0x10];
	_ =	sdelay $0x4  }
0x30: {  	v57 =	vshll.u32 v3, $0x3  }
0x31: {  	v3 =	vand.u32 $0x7, v3;
	v4 =	vand.u32 $0xFFFFFFC0, v57  }
0x32: {  	v3 =	vor.u32 v3, v4  }
0x33: {  	v4 =	vperm.xlane v3, v0;
	_ =	sdelay $0x1  }
0x34: {  	v4 =	vadd.s32 v1, v4;
	_ =	sdelay $0x4  }
0x35: {  	[tilespmem:s28], [sflag:$0x1] =	stream.indirect_vreg.gather [hbm4b:s3+s2], $0x80, v4, vm0, $0xb8;
	[tilespmem:$0x10080] =	vst v63  }
0x36: {  	v3 =	vperm.xlane v3, v2  }
0x37: {  	[tilespmem:s29], [sflag:$0x1] =	stream.indirect_vreg.gather [hbm4b:s4+s2], $0x80, v4, vm0, $0xb8;
	[tilespmem:$0x10080] =	vst v63  }
0x38: {  	v3 =	vadd.s32 v1, v3  }
0x39: {  	[tilespmem:s30], [sflag:$0x1] =	stream.indirect_vreg.gather [hbm4b:s5+s2], $0x80, v4, vm0, $0xb8;
	[tilespmem:$0x10080] =	vst v63  }
0x3a: {  	_ = 	snop  }
0x3b: {  	[tilespmem:s31], [sflag:$0x1] =	stream.indirect_vreg.gather [hbm4b:s6+s2], $0x80, v4, vm0, $0xb8;
	[tilespmem:$0x10080] =	vst v63  }
0x3c: {  	s1 =	simm.s32 $0x6080  }
0x3d: {  	[tilespmem:s1], [sflag:$0x1] =	stream.indirect_vreg.gather [hbm4b:s3+s2], $0x80, v3, vm0, $0xb8;
	[tilespmem:$0x10080] =	vst v63  }
0x3e: {  	s1 =	simm.s32 $0x6880  }
0x3f: {  	[tilespmem:s1], [sflag:$0x1] =	stream.indirect_vreg.gather [hbm4b:s4+s2], $0x80, v3, vm0, $0xb8;
	[tilespmem:$0x10080] =	vst v63  }
0x40: {  	_ = 	snop  }
0x41: {  	[tilespmem:s10], [sflag:$0x1] =	stream.indirect_vreg.gather [hbm4b:s5+s2], $0x80, v3, vm0, $0xb8;
	[tilespmem:$0x10080] =	vst v63  }
0x42: {  	_ = 	snop  }
0x43: {  	[tilespmem:s11], [sflag:$0x1] =	stream.indirect_vreg.gather [hbm4b:s6+s2], $0x80, v3, vm0, $0xb8;
	[tilespmem:$0x10080] =	vst v63  }
0x44: {  	v3 =	vld [tilespmem:$0x20];
	_ =	sdelay $0x4  }
0x45: {  	v58 =	vshll.u32 v3, $0x3  }
0x46: {  	v3 =	vand.u32 $0x7, v3;
	v4 =	vand.u32 $0xFFFFFFC0, v58  }
0x47: {  	v3 =	vor.u32 v3, v4  }
0x48: {  	v4 =	vperm.xlane v3, v0;
	_ =	sdelay $0x1  }
0x49: {  	v4 =	vadd.s32 v1, v4;
	_ =	sdelay $0x4  }
0x4a: {  	[tilespmem:s12], [sflag:$0x1] =	stream.indirect_vreg.gather [hbm4b:s3+s2], $0x80, v4, vm0, $0xb8;
	[tilespmem:$0x10080] =	vst v63  }
0x4b: {  	v3 =	vperm.xlane v3, v2  }
0x4c: {  	[tilespmem:s13], [sflag:$0x1] =	stream.indirect_vreg.gather [hbm4b:s4+s2], $0x80, v4, vm0, $0xb8;
	[tilespmem:$0x10080] =	vst v63  }
0x4d: {  	v3 =	vadd.s32 v1, v3  }
0x4e: {  	[tilespmem:s14], [sflag:$0x1] =	stream.indirect_vreg.gather [hbm4b:s5+s2], $0x80, v4, vm0, $0xb8;
	[tilespmem:$0x10080] =	vst v63  }
0x4f: {  	_ = 	snop  }
0x50: {  	[tilespmem:s15], [sflag:$0x1] =	stream.indirect_vreg.gather [hbm4b:s6+s2], $0x80, v4, vm0, $0xb8;
	[tilespmem:$0x10080] =	vst v63  }
0x51: {  	_ = 	snop  }
0x52: {  	[tilespmem:s16], [sflag:$0x1] =	stream.indirect_vreg.gather [hbm4b:s3+s2], $0x80, v3, vm0, $0xb8;
	[tilespmem:$0x10080] =	vst v63  }
0x53: {  	_ = 	snop  }
0x54: {  	[tilespmem:s17], [sflag:$0x1] =	stream.indirect_vreg.gather [hbm4b:s4+s2], $0x80, v3, vm0, $0xb8;
	[tilespmem:$0x10080] =	vst v63  }
0x55: {  	_ = 	snop  }
0x56: {  	[tilespmem:s9], [sflag:$0x1] =	stream.indirect_vreg.gather [hbm4b:s5+s2], $0x80, v3, vm0, $0xb8;
	[tilespmem:$0x10080] =	vst v63  }
0x57: {  	s19 =	simm.s32 $0xB880  }
0x58: {  	[tilespmem:s19], [sflag:$0x1] =	stream.indirect_vreg.gather [hbm4b:s6+s2], $0x80, v3, vm0, $0xb8;
	[tilespmem:$0x10080] =	vst v63  }
0x59: {  	v3 =	vld [tilespmem:$0x30];
	_ =	sdelay $0x4  }
0x5a: {  	v59 =	vshll.u32 v3, $0x3  }
0x5b: {  	v3 =	vand.u32 $0x7, v3;
	v4 =	vand.u32 $0xFFFFFFC0, v59  }
0x5c: {  	v3 =	vor.u32 v3, v4  }
0x5d: {  	v4 =	vperm.xlane v3, v0;
	_ =	sdelay $0x1  }
0x5e: {  	v4 =	vadd.s32 v1, v4;
	_ =	sdelay $0x3  }
0x5f: {  	s19 =	simm.s32 $0xC080  }
0x60: {  	[tilespmem:s19], [sflag:$0x1] =	stream.indirect_vreg.gather [hbm4b:s3+s2], $0x80, v4, vm0, $0xb8;
	[tilespmem:$0x10080] =	vst v63  }
0x61: {  	v3 =	vperm.xlane v3, v2;
	s19 =	simm.s32 $0xC880  }
0x62: {  	[tilespmem:s19], [sflag:$0x1] =	stream.indirect_vreg.gather [hbm4b:s4+s2], $0x80, v4, vm0, $0xb8;
	[tilespmem:$0x10080] =	vst v63  }
0x63: {  	v3 =	vadd.s32 v1, v3;
	s19 =	simm.s32 $0xD080  }
0x64: {  	[tilespmem:s19], [sflag:$0x1] =	stream.indirect_vreg.gather [hbm4b:s5+s2], $0x80, v4, vm0, $0xb8;
	[tilespmem:$0x10080] =	vst v63  }
0x65: {  	s19 =	simm.s32 $0xD880  }
0x66: {  	[tilespmem:s19], [sflag:$0x1] =	stream.indirect_vreg.gather [hbm4b:s6+s2], $0x80, v4, vm0, $0xb8;
	[tilespmem:$0x10080] =	vst v63  }
0x67: {  	s19 =	simm.s32 $0xE080  }
0x68: {  	[tilespmem:s19], [sflag:$0x1] =	stream.indirect_vreg.gather [hbm4b:s3+s2], $0x80, v3, vm0, $0xb8;
	[tilespmem:$0x10080] =	vst v63  }
0x69: {  	s19 =	simm.s32 $0xE880  }
0x6a: {  	[tilespmem:s19], [sflag:$0x1] =	stream.indirect_vreg.gather [hbm4b:s4+s2], $0x80, v3, vm0, $0xb8;
	[tilespmem:$0x10080] =	vst v63  }
0x6b: {  	s19 =	simm.s32 $0xF080  }
0x6c: {  	[tilespmem:s19], [sflag:$0x1] =	stream.indirect_vreg.gather [hbm4b:s5+s2], $0x80, v3, vm0, $0xb8;
	[tilespmem:$0x10080] =	vst v63  }
0x6d: {  	s19 =	simm.s32 $0xF880  }
0x6e: {  	[tilespmem:s19], [sflag:$0x1] =	stream.indirect_vreg.gather [hbm4b:s6+s2], $0x80, v3, vm0, $0xb8;
	[tilespmem:$0x10080] =	vst v63  }
0x6f: {  	_ =	swait.ge [sflag:s18], $0x10000  }
0x70: {  	[sflag:s18] =	ssyncset.done $0x0  }
0x71: {  	s19 =	rddreg [dreg:$0x4];
	[sflag:s18] =	ssyncadd.s32 $0xFFFF0000  }
0x72: {  	[hbm4b:s19+s2] =	stream.linear.scatter [tilespmem:s0], [sflag:$0x2], $0x10000, $0x38;
	[tilespmem:$0x10080] =	vst v63  }
0x73: {  	_ =	swait.ge [sflag:s8], $0x10000  }
0x74: {  	[sflag:s8] =	ssyncset.done $0x0  }
0x75: {  	s19 =	rddreg [dreg:$0x5];
	[sflag:s8] =	ssyncadd.s32 $0xFFFF0000  }
0x76: {  	[tilespmem:s2], [sflag:$0x2] =	stream.linear.gather [hbm4b:s19+s2], $0x40, $0x38;
	[tilespmem:$0x10080] =	vst v63  }
0x77: {  	_ =	swait.ge [sflag:s8], $0x40  }
0x78: {  	[sflag:s8] =	ssyncset.done $0x0  }
0x79: {  	[sflag:s8] =	ssyncadd.s32 $0xFFFFFFC0  }
0x7a: {  	v3 =	vld [tilespmem:$0x0];
	_ =	sdelay $0x4  }
0x7b: {  	v60 =	vshll.u32 v3, $0x3  }
0x7c: {  	v3 =	vand.u32 $0x7, v3;
	v4 =	vand.u32 $0xFFFFFFC0, v60  }
0x7d: {  	v3 =	vor.u32 v3, v4  }
0x7e: {  	v4 =	vperm.xlane v3, v0;
	_ =	sdelay $0x1  }
0x7f: {  	v4 =	vadd.s32 v1, v4;
	_ =	sdelay $0x4  }
0x80: {  	[tilespmem:s0], [sflag:$0x1] =	stream.indirect_vreg.gather [hbm4b:s3+s2], $0x80, v4, vm0, $0xb8;
	[tilespmem:$0x10080] =	vst v63  }
0x81: {  	v3 =	vperm.xlane v3, v2  }
0x82: {  	[tilespmem:s20], [sflag:$0x1] =	stream.indirect_vreg.gather [hbm4b:s4+s2], $0x80, v4, vm0, $0xb8;
	[tilespmem:$0x10080] =	vst v63  }
0x83: {  	v3 =	vadd.s32 v1, v3  }
0x84: {  	[tilespmem:s21], [sflag:$0x1] =	stream.indirect_vreg.gather [hbm4b:s5+s2], $0x80, v4, vm0, $0xb8;
	[tilespmem:$0x10080] =	vst v63  }
0x85: {  	_ = 	snop  }
0x86: {  	[tilespmem:s22], [sflag:$0x1] =	stream.indirect_vreg.gather [hbm4b:s6+s2], $0x80, v4, vm0, $0xb8;
	[tilespmem:$0x10080] =	vst v63  }
0x87: {  	_ = 	snop  }
0x88: {  	[tilespmem:s23], [sflag:$0x1] =	stream.indirect_vreg.gather [hbm4b:s3+s2], $0x80, v3, vm0, $0xb8;
	[tilespmem:$0x10080] =	vst v63  }
0x89: {  	_ = 	snop  }
0x8a: {  	[tilespmem:s24], [sflag:$0x1] =	stream.indirect_vreg.gather [hbm4b:s4+s2], $0x80, v3, vm0, $0xb8;
	[tilespmem:$0x10080] =	vst v63  }
0x8b: {  	_ = 	snop  }
0x8c: {  	[tilespmem:s25], [sflag:$0x1] =	stream.indirect_vreg.gather [hbm4b:s5+s2], $0x80, v3, vm0, $0xb8;
	[tilespmem:$0x10080] =	vst v63  }
0x8d: {  	_ = 	snop  }
0x8e: {  	[tilespmem:s26], [sflag:$0x1] =	stream.indirect_vreg.gather [hbm4b:s6+s2], $0x80, v3, vm0, $0xb8;
	[tilespmem:$0x10080] =	vst v63  }
0x8f: {  	v3 =	vld [tilespmem:$0x10];
	_ =	sdelay $0x4  }
0x90: {  	v61 =	vshll.u32 v3, $0x3  }
0x91: {  	v3 =	vand.u32 $0x7, v3;
	v4 =	vand.u32 $0xFFFFFFC0, v61  }
0x92: {  	v3 =	vor.u32 v3, v4  }
0x93: {  	v4 =	vperm.xlane v3, v0;
	_ =	sdelay $0x1  }
0x94: {  	v4 =	vadd.s32 v1, v4;
	_ =	sdelay $0x4  }
0x95: {  	[tilespmem:s28], [sflag:$0x1] =	stream.indirect_vreg.gather [hbm4b:s3+s2], $0x80, v4, vm0, $0xb8;
	[tilespmem:$0x10080] =	vst v63  }
0x96: {  	v3 =	vperm.xlane v3, v2  }
0x97: {  	[tilespmem:s29], [sflag:$0x1] =	stream.indirect_vreg.gather [hbm4b:s4+s2], $0x80, v4, vm0, $0xb8;
	[tilespmem:$0x10080] =	vst v63  }
0x98: {  	v3 =	vadd.s32 v1, v3  }
0x99: {  	[tilespmem:s30], [sflag:$0x1] =	stream.indirect_vreg.gather [hbm4b:s5+s2], $0x80, v4, vm0, $0xb8;
	[tilespmem:$0x10080] =	vst v63  }
0x9a: {  	_ = 	snop  }
0x9b: {  	[tilespmem:s31], [sflag:$0x1] =	stream.indirect_vreg.gather [hbm4b:s6+s2], $0x80, v4, vm0, $0xb8;
	[tilespmem:$0x10080] =	vst v63  }
0x9c: {  	s19 =	simm.s32 $0x6080  }
0x9d: {  	[tilespmem:s19], [sflag:$0x1] =	stream.indirect_vreg.gather [hbm4b:s3+s2], $0x80, v3, vm0, $0xb8;
	[tilespmem:$0x10080] =	vst v63  }
0x9e: {  	_ = 	snop  }
0x9f: {  	[tilespmem:s1], [sflag:$0x1] =	stream.indirect_vreg.gather [hbm4b:s4+s2], $0x80, v3, vm0, $0xb8;
	[tilespmem:$0x10080] =	vst v63  }
0xa0: {  	_ = 	snop  }
0xa1: {  	[tilespmem:s10], [sflag:$0x1] =	stream.indirect_vreg.gather [hbm4b:s5+s2], $0x80, v3, vm0, $0xb8;
	[tilespmem:$0x10080] =	vst v63  }
0xa2: {  	_ = 	snop  }
0xa3: {  	[tilespmem:s11], [sflag:$0x1] =	stream.indirect_vreg.gather [hbm4b:s6+s2], $0x80, v3, vm0, $0xb8;
	[tilespmem:$0x10080] =	vst v63  }
0xa4: {  	v3 =	vld [tilespmem:$0x20];
	_ =	sdelay $0x4  }
0xa5: {  	v62 =	vshll.u32 v3, $0x3  }
0xa6: {  	v3 =	vand.u32 $0x7, v3;
	v4 =	vand.u32 $0xFFFFFFC0, v62  }
0xa7: {  	v3 =	vor.u32 v3, v4  }
0xa8: {  	v4 =	vperm.xlane v3, v0;
	_ =	sdelay $0x1  }
0xa9: {  	v4 =	vadd.s32 v1, v4;
	_ =	sdelay $0x4  }
0xaa: {  	[tilespmem:s12], [sflag:$0x1] =	stream.indirect_vreg.gather [hbm4b:s3+s2], $0x80, v4, vm0, $0xb8;
	[tilespmem:$0x10080] =	vst v63  }
0xab: {  	v3 =	vperm.xlane v3, v2  }
0xac: {  	[tilespmem:s13], [sflag:$0x1] =	stream.indirect_vreg.gather [hbm4b:s4+s2], $0x80, v4, vm0, $0xb8;
	[tilespmem:$0x10080] =	vst v63  }
0xad: {  	v3 =	vadd.s32 v1, v3  }
0xae: {  	[tilespmem:s14], [sflag:$0x1] =	stream.indirect_vreg.gather [hbm4b:s5+s2], $0x80, v4, vm0, $0xb8;
	[tilespmem:$0x10080] =	vst v63  }
0xaf: {  	_ = 	snop  }
0xb0: {  	[tilespmem:s15], [sflag:$0x1] =	stream.indirect_vreg.gather [hbm4b:s6+s2], $0x80, v4, vm0, $0xb8;
	[tilespmem:$0x10080] =	vst v63  }
0xb1: {  	_ = 	snop  }
0xb2: {  	[tilespmem:s16], [sflag:$0x1] =	stream.indirect_vreg.gather [hbm4b:s3+s2], $0x80, v3, vm0, $0xb8;
	[tilespmem:$0x10080] =	vst v63  }
0xb3: {  	_ = 	snop  }
0xb4: {  	[tilespmem:s17], [sflag:$0x1] =	stream.indirect_vreg.gather [hbm4b:s4+s2], $0x80, v3, vm0, $0xb8;
	[tilespmem:$0x10080] =	vst v63  }
0xb5: {  	_ = 	snop  }
0xb6: {  	[tilespmem:s9], [sflag:$0x1] =	stream.indirect_vreg.gather [hbm4b:s5+s2], $0x80, v3, vm0, $0xb8;
	[tilespmem:$0x10080] =	vst v63  }
0xb7: {  	s19 =	simm.s32 $0xB880  }
0xb8: {  	[tilespmem:s19], [sflag:$0x1] =	stream.indirect_vreg.gather [hbm4b:s6+s2], $0x80, v3, vm0, $0xb8;
	[tilespmem:$0x10080] =	vst v63  }
0xb9: {  	v3 =	vld [tilespmem:$0x30];
	_ =	sdelay $0x4  }
0xba: {  	v63 =	vshll.u32 v3, $0x3  }
0xbb: {  	v3 =	vand.u32 $0x7, v3;
	v4 =	vand.u32 $0xFFFFFFC0, v63  }
0xbc: {  	v3 =	vor.u32 v3, v4  }
0xbd: {  	v4 =	vperm.xlane v3, v0;
	_ =	sdelay $0x1  }
0xbe: {  	v4 =	vadd.s32 v1, v4;
	_ =	sdelay $0x3  }
0xbf: {  	s19 =	simm.s32 $0xC080  }
0xc0: {  	[tilespmem:s19], [sflag:$0x1] =	stream.indirect_vreg.gather [hbm4b:s3+s2], $0x80, v4, vm0, $0xb8;
	[tilespmem:$0x10080] =	vst v63  }
0xc1: {  	v3 =	vperm.xlane v3, v2;
	s19 =	simm.s32 $0xC880  }
0xc2: {  	[tilespmem:s19], [sflag:$0x1] =	stream.indirect_vreg.gather [hbm4b:s4+s2], $0x80, v4, vm0, $0xb8;
	[tilespmem:$0x10080] =	vst v63  }
0xc3: {  	v3 =	vadd.s32 v1, v3;
	s19 =	simm.s32 $0xD080  }
0xc4: {  	[tilespmem:s19], [sflag:$0x1] =	stream.indirect_vreg.gather [hbm4b:s5+s2], $0x80, v4, vm0, $0xb8;
	[tilespmem:$0x10080] =	vst v63  }
0xc5: {  	s19 =	simm.s32 $0xD880  }
0xc6: {  	[tilespmem:s19], [sflag:$0x1] =	stream.indirect_vreg.gather [hbm4b:s6+s2], $0x80, v4, vm0, $0xb8;
	[tilespmem:$0x10080] =	vst v63  }
0xc7: {  	s19 =	simm.s32 $0xE080  }
0xc8: {  	[tilespmem:s19], [sflag:$0x1] =	stream.indirect_vreg.gather [hbm4b:s3+s2], $0x80, v3, vm0, $0xb8;
	[tilespmem:$0x10080] =	vst v63  }
0xc9: {  	s19 =	simm.s32 $0xE880  }
0xca: {  	[tilespmem:s19], [sflag:$0x1] =	stream.indirect_vreg.gather [hbm4b:s4+s2], $0x80, v3, vm0, $0xb8;
	[tilespmem:$0x10080] =	vst v63  }
0xcb: {  	s19 =	simm.s32 $0xF080  }
0xcc: {  	[tilespmem:s19], [sflag:$0x1] =	stream.indirect_vreg.gather [hbm4b:s5+s2], $0x80, v3, vm0, $0xb8;
	[tilespmem:$0x10080] =	vst v63  }
0xcd: {  	s19 =	simm.s32 $0xF880  }
0xce: {  	[tilespmem:s19], [sflag:$0x1] =	stream.indirect_vreg.gather [hbm4b:s6+s2], $0x80, v3, vm0, $0xb8;
	[tilespmem:$0x10080] =	vst v63  }
0xcf: {  	_ =	swait.ge [sflag:s18], $0x10000  }
0xd0: {  	p0 =	sne.s32 s7, $0x1;
	[sflag:s18] =	ssyncset.done $0x0  }
.Ltmp0:
0xd1: {  	s1 =	rddreg [dreg:$0x6];
	[sflag:s18] =	ssyncadd.s32 $0xFFFF0000;
	(pc) =	sbr.rel @p0 .LBB2_1-.Ltmp0, $4  }
0xd2: {  	[hbm4b:s1+s2] =	stream.linear.scatter [tilespmem:s0], [sflag:$0x2], $0x10000, $0x38;
	[tilespmem:$0x10080] =	vst v63  }
0xd3: {  	_ =	swait.ge [sflag:s8], $0x10000  }
0xd4: {  	[sflag:s8] =	ssyncset.done $0x0  }
0xd5: {  	s7 =	sadd.s32 $0xFFFFFFFF, s7;
	[sflag:s8] =	ssyncadd.s32 $0xFFFF0000  }
0xd6: {  	_ =	sfence.sel $0x180000  }
0xd7: {  	[bflag:$0x0] =	sbarrier.arrive $0xFFFF  }
0xd8: {  	_ =	strace $0x9000004D  }
0xd9: {  	s0 =	stileid.u32;
	[bflag:$0x2] =	sbarrier.arrive $0xFFFF  }
0xda: {  	p0 =	sne.s32 s0, $0x0;
	s0 =	rddreg [dreg:$0x2]  }
0xdb: {  	s0 =	sadd.s32 @!p0 $0x100000, s0  }
0xdc: {  	[sflag:s0] =	ssyncadd.tile.s32 @!p0 $0x1;
	_ =	shalt  }
.Lfunc_end2:
_tile_overlayer_lowered:
.L_overlay_start_2:
0xdd: {  	(tag) =	ssettag $0x2  }
0xde: {  	s0 =	rddreg [dreg:$0x0];
	s2 =	stileid.u32  }
0xdf: {  	s1 =	rddreg [dreg:$0x1];
	p0 =	sne.s32 s2, $0x0  }
0xe0: {  	s3 =	rddreg [dreg:$0x2];
	[bflag:$0x3] =	sbarrier.arrive $0xFFFF;
	s2 =	simm.s32 @!p0 $0x1C02  }
0xe1: {  	[timem:s3], [sflag:s2] =	dma.local @!p0 [hbm:s0], s1  }
0xe2: {  	s0 =	simm.s32 @!p0 $0x2  }
0xe3: {  	_ =	swait.ge @!p0 [sflag:s0], s1  }
0xe4: {  	s1 =	ssub.s32 @!p0 $0x0, s1;
	[sflag:s0] =	ssyncset.done @!p0 $0x0  }
0xe5: {  	[sflag:s0] =	ssyncadd.s32 @!p0 s1  }
0xe6: {  	[bflag:$0x3] =	sbarrier.arrive $0xFFFF  }
0xe7: {  	_ =	shalt  }

</sc_bundles>
